<compile_context>
chip_gen: v7x
topology: tpu7x:2x2x1
jax: 0.10.2.dev20260603
libtpu: 0.0.44.dev20260713+nightly
codegen_flags: <defaults>
</compile_context>

<pallas_src>
import functools

import jax
import jax.numpy as jnp
from jax import lax
from jax.experimental import pallas as pl
from jax.experimental.pallas import tpu as pltpu
from jax.experimental.pallas import tpu_sc as plsc

N_CTRL = 17
LANES = 16

_GATHER_DNUMS = lax.GatherDimensionNumbers(
    offset_dims=(), collapsed_slice_dims=(0,), start_index_map=(0,)
)


def _vreg_gather(table, idx):
    return lax.gather(
        table,
        idx[:, None],
        _GATHER_DNUMS,
        slice_sizes=(1,),
        mode=lax.GatherScatterMode.PROMISE_IN_BOUNDS,
    )


def _tone_curve_sc(img, a_tab, d_tab):
    B, C, H, W = img.shape
    rows = 32
    chunk = rows * W
    chunks_per_plane = H // rows
    mesh = plsc.VectorSubcoreMesh(core_axis_name="c", subcore_axis_name="s")

    @functools.partial(
        pl.kernel,
        mesh=mesh,
        out_type=jax.ShapeDtypeStruct((B, C, H, W), jnp.float32),
        compiler_params=pltpu.CompilerParams(use_tc_tiling_on_sc=True),
        scratch_types=[
            pltpu.VMEM((C * LANES,), jnp.float32),
            pltpu.VMEM((C * LANES,), jnp.float32),
            pltpu.VMEM((rows, W), jnp.float32),
            pltpu.VMEM((rows, W), jnp.float32),
            pltpu.VMEM((rows, W), jnp.float32),
            pltpu.VMEM((rows, W), jnp.float32),
            pltpu.SemaphoreType.DMA,
            pltpu.SemaphoreType.DMA,
            pltpu.SemaphoreType.DMA,
            pltpu.SemaphoreType.DMA,
        ],
    )
    def body(img_hbm, a_hbm, d_hbm, out_hbm, lut_a, lut_d,
             in0, in1, ob0, ob1, si0, si1, so0, so1):
        wid = lax.axis_index("s") * 2 + lax.axis_index("c")
        pltpu.sync_copy(a_hbm.at[pl.ds(wid * C * LANES, C * LANES)], lut_a)
        pltpu.sync_copy(d_hbm.at[pl.ds(wid * C * LANES, C * LANES)], lut_d)

        def in_copy(ch, g, buf, sem):
            return pltpu.make_async_copy(
                img_hbm.at[wid, ch, pl.ds(g * rows, rows), :], buf, sem)

        def out_copy(ch, g, buf, sem):
            return pltpu.make_async_copy(
                buf, out_hbm.at[wid, ch, pl.ds(g * rows, rows), :], sem)

        bufs = ((in0, si0, ob0, so0), (in1, si1, ob1, so1))

        in_copy(0, 0, in0, si0).start()

        for ch in range(C):
            a_reg = lut_a[pl.ds(ch * LANES, LANES)]
            d_reg = lut_d[pl.ds(ch * LANES, LANES)]

            def process(ch, g, bi, a_reg=a_reg, d_reg=d_reg):
                ibuf, isem, obuf, osem = bufs[bi]
                n_ibuf, n_isem = bufs[1 - bi][0], bufs[1 - bi][1]

                nxt = ch * chunks_per_plane + g + 1
                n_ch = nxt // chunks_per_plane
                n_g = nxt % chunks_per_plane

                @pl.when(nxt < C * chunks_per_plane)
                def _():
                    in_copy(n_ch, n_g, n_ibuf, n_isem).start()

                in_copy(ch, g, ibuf, isem).wait()

                prev = ch * chunks_per_plane + g - 2

                @pl.when(prev >= 0)
                def _():
                    out_copy(prev // chunks_per_plane,
                             prev % chunks_per_plane, obuf, osem).wait()

                w_shift = W.bit_length() - 1

                @plsc.parallel_loop(0, rows * W, step=LANES, unroll=8)
                def _(off):
                    r = lax.shift_right_logical(off, w_shift)
                    cc = pl.multiple_of(lax.bitwise_and(off, W - 1), LANES)
                    x = ibuf[r, pl.ds(cc, LANES)]
                    lo = lax.convert_element_type(
                        x * jnp.float32(N_CTRL - 1), jnp.int32)
                    av = _vreg_gather(a_reg, lo)
                    dv = _vreg_gather(d_reg, lo)
                    obuf[r, pl.ds(cc, LANES)] = av + dv * x

                out_copy(ch, g, obuf, osem).start()

            def pair_body(gp, _, ch=ch, process=process):
                process(ch, gp * 2, 0)
                process(ch, gp * 2 + 1, 1)
                return 0

            lax.fori_loop(0, chunks_per_plane // 2, pair_body, 0)

        out_copy(C - 1, chunks_per_plane - 2, ob0, so0).wait()
        out_copy(C - 1, chunks_per_plane - 1, ob1, so1).wait()

    return body(img, a_tab, d_tab)


def kernel(img, params):
    B, C, H, W = img.shape
    K = N_CTRL
    offsets = params.reshape(B, C, K)
    identity_y = jnp.linspace(0.0, 1.0, K, dtype=jnp.float32)
    cy = jnp.clip(identity_y[None, None, :] + offsets, 0.0, 1.0)
    dd = cy[..., 1:] - cy[..., : K - 1]
    kk = jnp.arange(K - 1, dtype=jnp.float32)
    a_tab = (cy[..., : K - 1] - dd * kk).reshape(B * C * (K - 1))
    d_tab = (dd * jnp.float32(K - 1)).reshape(B * C * (K - 1))
    return _tone_curve_sc(img, a_tab, d_tab)

# --- scband reference (transcript-rebuilt; emitter-appended) ---
"""Pipeline reference for scband-tone-curve-77421080478217 (READ-ONLY COPY).

The authoritative reference and input builder live on the scoring server;
editing this copy changes nothing except your own understanding.
"""

import jax, jax.numpy as jnp
import numpy as np

N_POINTS = 17


def setup_inputs(seed: int = 0) -> dict:
    key = jax.random.key(seed)
    k1, k2 = jax.random.split(key)
    img = jax.random.uniform(k1, (32, 3, 512, 512), dtype=jnp.float32)
    params = jax.random.normal(k2, (32, 3 * N_POINTS), dtype=jnp.float32)
    return {"img": img, "params": params}


def reference(img, params):
    B, C, H, W = img.shape
    K = N_POINTS
    offsets = params.reshape(B, 3, K)
    identity_y = jnp.linspace(0.0, 1.0, K, dtype=jnp.float32)[None, None, :]
    ctrl_y = jnp.clip(identity_y + offsets, 0.0, 1.0)
    outs = []
    for c in range(3):
        channel = img[:, c]  # (B, H, W)
        cy = ctrl_y[:, c]    # (B, K)
        scaled = channel * (K - 1)
        lo = jnp.clip(jnp.floor(scaled).astype(jnp.int32), 0, K - 2)
        frac = scaled - lo.astype(jnp.float32)
        lo_flat = lo.reshape(B, -1)
        hi_flat = jnp.minimum(lo_flat + 1, K - 1)
        val_lo = jnp.take_along_axis(cy, lo_flat, axis=1)
        val_hi = jnp.take_along_axis(cy, hi_flat, axis=1)
        frac_flat = frac.reshape(B, -1)
        interp = val_lo + (val_hi - val_lo) * frac_flat
        outs.append(interp.reshape(B, 1, H, W))
    return jnp.concatenate(outs, axis=1)

if __name__ == "__main__":
    import jax
    _d = setup_inputs()
    print(jax.jit(kernel)(*tuple(_d.values())))

</pallas_src>

<mosaic_0001>
#map = affine_map<(d0, d1) -> (0, 0, 0, 0)>
#map1 = affine_map<(d0, d1) -> (0)>
module attributes {stable_mosaic.version = 14 : i64} {
  func.func @body(%arg0: i32, %arg1: i32, %arg2: memref<32x3x512x512xf32, #tpu.memory_space<hbm>>, %arg3: memref<1536xf32, #tpu.memory_space<hbm>>, %arg4: memref<1536xf32, #tpu.memory_space<hbm>>, %arg5: memref<32x3x512x512xf32, #tpu.memory_space<hbm>>, %arg6: memref<48xf32, #tpu.memory_space<vmem>>, %arg7: memref<48xf32, #tpu.memory_space<vmem>>, %arg8: memref<32x512xf32, #tpu.memory_space<vmem>>, %arg9: memref<32x512xf32, #tpu.memory_space<vmem>>, %arg10: memref<32x512xf32, #tpu.memory_space<vmem>>, %arg11: memref<32x512xf32, #tpu.memory_space<vmem>>, %arg12: memref<!tpu.dma_semaphore, #tpu.memory_space<semaphore_mem>>, %arg13: memref<!tpu.dma_semaphore, #tpu.memory_space<semaphore_mem>>, %arg14: memref<!tpu.dma_semaphore, #tpu.memory_space<semaphore_mem>>, %arg15: memref<!tpu.dma_semaphore, #tpu.memory_space<semaphore_mem>>) attributes {dimension_semantics = [#tpu.dimension_semantics<core_parallel>, #tpu.dimension_semantics<subcore_parallel>], iteration_bounds = array<i64: 2, 16>, scalar_prefetch = 0 : i64, scratch_operands = 10 : i64, tpu.core_type = #tpu.core_type<sc_vector_subcore>, window_params = [{transform_indices = #map}, {transform_indices = #map1}, {transform_indices = #map1}, {transform_indices = #map}]} {
    %mul3A = arith.constant 2 : i32
    %mul3A_0 = arith.muli %arg1, %mul3A : i32
    %add3A = arith.addi %mul3A_0, %arg0 : i32
    %mul3A_1 = arith.constant 3 : i32
    %mul3A_2 = arith.muli %add3A, %mul3A_1 : i32
    %mul3A_3 = arith.constant 16 : i32
    %mul3A_4 = arith.muli %mul3A_2, %mul3A_3 : i32
    "tpu.region"() ({
      %run_scoped3A = tpu.sem_alloc : memref<!tpu.dma_semaphore, #tpu.memory_space<semaphore_mem>>
      %dma_start3A_71 = tpu.memref_slice %arg3[%mul3A_4] : memref<1536xf32, #tpu.memory_space<hbm>> -> memref<48xf32, #tpu.memory_space<hbm>>
      %dma_start3A_72 = tpu.memref_slice %arg3[%mul3A_4] : memref<1536xf32, #tpu.memory_space<hbm>> -> memref<48xf32, #tpu.memory_space<hbm>>
      tpu.enqueue_dma source(%dma_start3A_72 : memref<48xf32, #tpu.memory_space<hbm>>) target(%arg6 : memref<48xf32, #tpu.memory_space<vmem>>) target_semaphore(%run_scoped3A : memref<!tpu.dma_semaphore, #tpu.memory_space<semaphore_mem>>)
      %dma_wait3A_73 = tpu.memref_slice %arg3[%mul3A_4] : memref<1536xf32, #tpu.memory_space<hbm>> -> memref<48xf32, #tpu.memory_space<hbm>>
      %dma_wait3A_74 = tpu.memref_slice %arg3[%mul3A_4] : memref<1536xf32, #tpu.memory_space<hbm>> -> memref<48xf32, #tpu.memory_space<hbm>>
      tpu.wait_dma2 semaphore(%run_scoped3A : memref<!tpu.dma_semaphore, #tpu.memory_space<semaphore_mem>>) src(%dma_wait3A_74 : memref<48xf32, #tpu.memory_space<hbm>>) dst(%arg6 : memref<48xf32, #tpu.memory_space<vmem>>)
      tpu.yield
    }) : () -> ()
    %mul3A_5 = arith.constant 3 : i32
    %mul3A_6 = arith.muli %add3A, %mul3A_5 : i32
    %mul3A_7 = arith.constant 16 : i32
    %mul3A_8 = arith.muli %mul3A_6, %mul3A_7 : i32
    "tpu.region"() ({
      %run_scoped3A = tpu.sem_alloc : memref<!tpu.dma_semaphore, #tpu.memory_space<semaphore_mem>>
      %dma_start3A_71 = tpu.memref_slice %arg4[%mul3A_8] : memref<1536xf32, #tpu.memory_space<hbm>> -> memref<48xf32, #tpu.memory_space<hbm>>
      %dma_start3A_72 = tpu.memref_slice %arg4[%mul3A_8] : memref<1536xf32, #tpu.memory_space<hbm>> -> memref<48xf32, #tpu.memory_space<hbm>>
      tpu.enqueue_dma source(%dma_start3A_72 : memref<48xf32, #tpu.memory_space<hbm>>) target(%arg7 : memref<48xf32, #tpu.memory_space<vmem>>) target_semaphore(%run_scoped3A : memref<!tpu.dma_semaphore, #tpu.memory_space<semaphore_mem>>)
      %dma_wait3A_73 = tpu.memref_slice %arg4[%mul3A_8] : memref<1536xf32, #tpu.memory_space<hbm>> -> memref<48xf32, #tpu.memory_space<hbm>>
      %dma_wait3A_74 = tpu.memref_slice %arg4[%mul3A_8] : memref<1536xf32, #tpu.memory_space<hbm>> -> memref<48xf32, #tpu.memory_space<hbm>>
      tpu.wait_dma2 semaphore(%run_scoped3A : memref<!tpu.dma_semaphore, #tpu.memory_space<semaphore_mem>>) src(%dma_wait3A_74 : memref<48xf32, #tpu.memory_space<hbm>>) dst(%arg7 : memref<48xf32, #tpu.memory_space<vmem>>)
      tpu.yield
    }) : () -> ()
    %dma_start3A = arith.constant 0 : i32
    %dma_start3A_9 = arith.constant 0 : i32
    %dma_start3A_10 = arith.constant 0 : i32
    %dma_start3A_11 = tpu.memref_slice %arg2[%add3A, %dma_start3A, %dma_start3A_9, %dma_start3A_10] : memref<32x3x512x512xf32, #tpu.memory_space<hbm>> -> memref<1x1x32x512xf32, #tpu.memory_space<hbm>>
    %dma_start3A_12 = tpu.memref_squeeze %dma_start3A_11 : memref<1x1x32x512xf32, #tpu.memory_space<hbm>> -> memref<32x512xf32, #tpu.memory_space<hbm>>
    %dma_start3A_13 = arith.constant 0 : i32
    %dma_start3A_14 = arith.constant 0 : i32
    %dma_start3A_15 = tpu.memref_slice %arg2[%add3A, %dma_start3A, %dma_start3A_13, %dma_start3A_14] : memref<32x3x512x512xf32, #tpu.memory_space<hbm>> -> memref<1x1x32x512xf32, #tpu.memory_space<hbm>>
    %dma_start3A_16 = tpu.memref_squeeze %dma_start3A_15 : memref<1x1x32x512xf32, #tpu.memory_space<hbm>> -> memref<32x512xf32, #tpu.memory_space<hbm>>
    tpu.enqueue_dma source(%dma_start3A_16 : memref<32x512xf32, #tpu.memory_space<hbm>>) target(%arg8 : memref<32x512xf32, #tpu.memory_space<vmem>>) target_semaphore(%arg12 : memref<!tpu.dma_semaphore, #tpu.memory_space<semaphore_mem>>)
    %get3A = arith.constant 0 : index
    %get3A_17 = tpu.vector_load %arg6[%get3A] {strides = array<i32>} : memref<48xf32, #tpu.memory_space<vmem>>, vector<16xf32>,
    %get3A_18 = vector.shape_cast %get3A_17 : vector<16xf32> to vector<16xf32>
    %get3A_19 = arith.constant 0 : index
    %get3A_20 = tpu.vector_load %arg7[%get3A_19] {strides = array<i32>} : memref<48xf32, #tpu.memory_space<vmem>>, vector<16xf32>,
    %get3A_21 = vector.shape_cast %get3A_20 : vector<16xf32> to vector<16xf32>
    %scan3A = arith.constant 0 : i32
    %scan3A_22 = arith.constant 0 : i32
    %scan3A_23 = arith.constant 8 : i32
    %scan3A_24 = arith.addi %scan3A_22, %scan3A_23 : i32
    %scan3A_25 = arith.constant 1 : i32
    %scan3A_26 = scf.for %scan3A_71 = %scan3A_22 to %scan3A_24 step %scan3A_25 iter_args(%scan3A_72 = %scan3A) -> (i32)  : i32 {
      %mul3A_73 = arith.constant 2 : i32
      %mul3A_74 = arith.muli %scan3A_71, %mul3A_73 : i32
      %add3A_75 = arith.constant 0 : i32
      %add3A_76 = arith.addi %add3A_75, %mul3A_74 : i32
      %add3A_77 = arith.constant 1 : i32
      %add3A_78 = arith.addi %add3A_76, %add3A_77 : i32
      %jit3A = arith.constant 16 : i32
      %div3A = arith.divsi %add3A_78, %jit3A : i32
      %sign3A = arith.constant 0 : i32
      %sign3A_79 = arith.cmpi sgt, %add3A_78, %sign3A : i32
      %sign3A_80 = arith.extui %sign3A_79 : i1 to i32
      %sign3A_81 = arith.constant 0 : i32
      %sign3A_82 = arith.cmpi slt, %add3A_78, %sign3A_81 : i32
      %sign3A_83 = arith.extui %sign3A_82 : i1 to i32
      %sign3A_84 = arith.subi %sign3A_80, %sign3A_83 : i32
      %sign3A_85 = arith.constant 0 : i32
      %sign3A_86 = arith.cmpi sgt, %jit3A, %sign3A_85 : i32
      %sign3A_87 = arith.extui %sign3A_86 : i1 to i32
      %sign3A_88 = arith.constant 0 : i32
      %sign3A_89 = arith.cmpi slt, %jit3A, %sign3A_88 : i32
      %sign3A_90 = arith.extui %sign3A_89 : i1 to i32
      %sign3A_91 = arith.subi %sign3A_87, %sign3A_90 : i32
      %ne3A = arith.cmpi ne, %sign3A_84, %sign3A_91 : i32
      %rem3A = arith.remsi %add3A_78, %jit3A : i32
      %ne3A_92 = arith.constant 0 : i32
      %ne3A_93 = arith.cmpi ne, %rem3A, %ne3A_92 : i32
      %and3A = arith.andi %ne3A, %ne3A_93 : i1
      %sub3A = arith.constant 1 : i32
      %sub3A_94 = arith.subi %div3A, %sub3A : i32
      %select_n3A = arith.select %and3A, %sub3A_94, %div3A : i32
      %jit3A_95 = arith.constant 16 : i32
      %eq3A = arith.constant 0 : i32
      %eq3A_96 = arith.cmpi eq, %jit3A_95, %eq3A : i32
      %jit3A_97 = arith.constant 1 : i32
      %select_n3A_98 = arith.select %eq3A_96, %jit3A_97, %jit3A_95 : i32
      %rem3A_99 = arith.remsi %add3A_78, %select_n3A_98 : i32
      %ne3A_100 = arith.constant 0 : i32
      %ne3A_101 = arith.cmpi ne, %rem3A_99, %ne3A_100 : i32
      %lt3A = arith.constant 0 : i32
      %lt3A_102 = arith.cmpi slt, %rem3A_99, %lt3A : i32
      %lt3A_103 = arith.constant 0 : i32
      %lt3A_104 = arith.cmpi slt, %select_n3A_98, %lt3A_103 : i32
      %ne3A_105 = arith.xori %lt3A_102, %lt3A_104 : i1
      %and3A_106 = arith.andi %ne3A_105, %ne3A_101 : i1
      %add3A_107 = arith.addi %rem3A_99, %select_n3A_98 : i32
      %select_n3A_108 = arith.select %and3A_106, %add3A_107, %rem3A_99 : i32
      %lt3A_109 = arith.constant 48 : i32
      %lt3A_110 = arith.cmpi slt, %add3A_78, %lt3A_109 : i32
      %convert_element_type3A = arith.extui %lt3A_110 : i1 to i32
      %cond3A = arith.constant 0 : i32
      %cond3A_111 = arith.cmpi ne, %convert_element_type3A, %cond3A : i32
      scf.if %cond3A_111 {
        %mul3A_224 = arith.constant 32 : i32
        %mul3A_225 = arith.muli %select_n3A_108, %mul3A_224 : i32
        %dma_start3A_226 = arith.constant 0 : i32
        %dma_start3A_227 = tpu.memref_slice %arg2[%add3A, %select_n3A, %mul3A_225, %dma_start3A_226] : memref<32x3x512x512xf32, #tpu.memory_space<hbm>> -> memref<1x1x32x512xf32, #tpu.memory_space<hbm>>
        %dma_start3A_228 = tpu.memref_squeeze %dma_start3A_227 : memref<1x1x32x512xf32, #tpu.memory_space<hbm>> -> memref<32x512xf32, #tpu.memory_space<hbm>>
        %dma_start3A_229 = arith.constant 0 : i32
        %dma_start3A_230 = tpu.memref_slice %arg2[%add3A, %select_n3A, %mul3A_225, %dma_start3A_229] : memref<32x3x512x512xf32, #tpu.memory_space<hbm>> -> memref<1x1x32x512xf32, #tpu.memory_space<hbm>>
        %dma_start3A_231 = tpu.memref_squeeze %dma_start3A_230 : memref<1x1x32x512xf32, #tpu.memory_space<hbm>> -> memref<32x512xf32, #tpu.memory_space<hbm>>
        tpu.enqueue_dma source(%dma_start3A_231 : memref<32x512xf32, #tpu.memory_space<hbm>>) target(%arg9 : memref<32x512xf32, #tpu.memory_space<vmem>>) target_semaphore(%arg13 : memref<!tpu.dma_semaphore, #tpu.memory_space<semaphore_mem>>)
      } else {
      }
      %mul3A_112 = arith.constant 32 : i32
      %mul3A_113 = arith.muli %mul3A_74, %mul3A_112 : i32
      %dma_wait3A_114 = arith.constant 0 : i32
      %dma_wait3A_115 = arith.constant 0 : i32
      %dma_wait3A_116 = tpu.memref_slice %arg2[%add3A, %dma_wait3A_114, %mul3A_113, %dma_wait3A_115] : memref<32x3x512x512xf32, #tpu.memory_space<hbm>> -> memref<1x1x32x512xf32, #tpu.memory_space<hbm>>
      %dma_wait3A_117 = tpu.memref_squeeze %dma_wait3A_116 : memref<1x1x32x512xf32, #tpu.memory_space<hbm>> -> memref<32x512xf32, #tpu.memory_space<hbm>>
      %dma_wait3A_118 = arith.constant 0 : i32
      %dma_wait3A_119 = tpu.memref_slice %arg2[%add3A, %dma_wait3A_114, %mul3A_113, %dma_wait3A_118] : memref<32x3x512x512xf32, #tpu.memory_space<hbm>> -> memref<1x1x32x512xf32, #tpu.memory_space<hbm>>
      %dma_wait3A_120 = tpu.memref_squeeze %dma_wait3A_119 : memref<1x1x32x512xf32, #tpu.memory_space<hbm>> -> memref<32x512xf32, #tpu.memory_space<hbm>>
      tpu.wait_dma2 semaphore(%arg12 : memref<!tpu.dma_semaphore, #tpu.memory_space<semaphore_mem>>) src(%dma_wait3A_120 : memref<32x512xf32, #tpu.memory_space<hbm>>) dst(%arg8 : memref<32x512xf32, #tpu.memory_space<vmem>>)
      %add3A_121 = arith.constant 0 : i32
      %add3A_122 = arith.addi %add3A_121, %mul3A_74 : i32
      %sub3A_123 = arith.constant 2 : i32
      %sub3A_124 = arith.subi %add3A_122, %sub3A_123 : i32
      %ge3A = arith.constant 0 : i32
      %ge3A_125 = arith.cmpi sge, %sub3A_124, %ge3A : i32
      %convert_element_type3A_126 = arith.extui %ge3A_125 : i1 to i32
      %cond3A_127 = arith.constant 0 : i32
      %cond3A_128 = arith.cmpi ne, %convert_element_type3A_126, %cond3A_127 : i32
      scf.if %cond3A_128 {
        %jit3A_224 = arith.constant 16 : i32
        %div3A_225 = arith.divsi %sub3A_124, %jit3A_224 : i32
        %sign3A_226 = arith.constant 0 : i32
        %sign3A_227 = arith.cmpi sgt, %sub3A_124, %sign3A_226 : i32
        %sign3A_228 = arith.extui %sign3A_227 : i1 to i32
        %sign3A_229 = arith.constant 0 : i32
        %sign3A_230 = arith.cmpi slt, %sub3A_124, %sign3A_229 : i32
        %sign3A_231 = arith.extui %sign3A_230 : i1 to i32
        %sign3A_232 = arith.subi %sign3A_228, %sign3A_231 : i32
        %sign3A_233 = arith.constant 0 : i32
        %sign3A_234 = arith.cmpi sgt, %jit3A_224, %sign3A_233 : i32
        %sign3A_235 = arith.extui %sign3A_234 : i1 to i32
        %sign3A_236 = arith.constant 0 : i32
        %sign3A_237 = arith.cmpi slt, %jit3A_224, %sign3A_236 : i32
        %sign3A_238 = arith.extui %sign3A_237 : i1 to i32
        %sign3A_239 = arith.subi %sign3A_235, %sign3A_238 : i32
        %ne3A_240 = arith.cmpi ne, %sign3A_232, %sign3A_239 : i32
        %rem3A_241 = arith.remsi %sub3A_124, %jit3A_224 : i32
        %ne3A_242 = arith.constant 0 : i32
        %ne3A_243 = arith.cmpi ne, %rem3A_241, %ne3A_242 : i32
        %and3A_244 = arith.andi %ne3A_240, %ne3A_243 : i1
        %sub3A_245 = arith.constant 1 : i32
        %sub3A_246 = arith.subi %div3A_225, %sub3A_245 : i32
        %select_n3A_247 = arith.select %and3A_244, %sub3A_246, %div3A_225 : i32
        %jit3A_248 = arith.constant 16 : i32
        %eq3A_249 = arith.constant 0 : i32
        %eq3A_250 = arith.cmpi eq, %jit3A_248, %eq3A_249 : i32
        %jit3A_251 = arith.constant 1 : i32
        %select_n3A_252 = arith.select %eq3A_250, %jit3A_251, %jit3A_248 : i32
        %rem3A_253 = arith.remsi %sub3A_124, %select_n3A_252 : i32
        %ne3A_254 = arith.constant 0 : i32
        %ne3A_255 = arith.cmpi ne, %rem3A_253, %ne3A_254 : i32
        %lt3A_256 = arith.constant 0 : i32
        %lt3A_257 = arith.cmpi slt, %rem3A_253, %lt3A_256 : i32
        %lt3A_258 = arith.constant 0 : i32
        %lt3A_259 = arith.cmpi slt, %select_n3A_252, %lt3A_258 : i32
        %ne3A_260 = arith.xori %lt3A_257, %lt3A_259 : i1
        %and3A_261 = arith.andi %ne3A_260, %ne3A_255 : i1
        %add3A_262 = arith.addi %rem3A_253, %select_n3A_252 : i32
        %select_n3A_263 = arith.select %and3A_261, %add3A_262, %rem3A_253 : i32
        %mul3A_264 = arith.constant 32 : i32
        %mul3A_265 = arith.muli %select_n3A_263, %mul3A_264 : i32
        %dma_wait3A_266 = arith.constant 0 : i32
        %dma_wait3A_267 = tpu.memref_slice %arg5[%add3A, %select_n3A_247, %mul3A_265, %dma_wait3A_266] : memref<32x3x512x512xf32, #tpu.memory_space<hbm>> -> memref<1x1x32x512xf32, #tpu.memory_space<hbm>>
        %dma_wait3A_268 = tpu.memref_squeeze %dma_wait3A_267 : memref<1x1x32x512xf32, #tpu.memory_space<hbm>> -> memref<32x512xf32, #tpu.memory_space<hbm>>
        %dma_wait3A_269 = arith.constant 0 : i32
        %dma_wait3A_270 = tpu.memref_slice %arg5[%add3A, %select_n3A_247, %mul3A_265, %dma_wait3A_269] : memref<32x3x512x512xf32, #tpu.memory_space<hbm>> -> memref<1x1x32x512xf32, #tpu.memory_space<hbm>>
        %dma_wait3A_271 = tpu.memref_squeeze %dma_wait3A_270 : memref<1x1x32x512xf32, #tpu.memory_space<hbm>> -> memref<32x512xf32, #tpu.memory_space<hbm>>
        tpu.wait_dma2 semaphore(%arg14 : memref<!tpu.dma_semaphore, #tpu.memory_space<semaphore_mem>>) src(%arg10 : memref<32x512xf32, #tpu.memory_space<vmem>>) dst(%dma_wait3A_271 : memref<32x512xf32, #tpu.memory_space<hbm>>)
      } else {
      }
      %parallel_loop3A = arith.constant 0 : i32
      %parallel_loop3A_129 = arith.constant 16384 : i32
      %parallel_loop3A_130 = arith.constant 16 : i32
      scf.for %parallel_loop3A_224 = %parallel_loop3A to %parallel_loop3A_129 step %parallel_loop3A_130  : i32 {
        %parallel_loop3A_225 = arith.constant 9 : i32
        %parallel_loop3A_226 = arith.shrui %parallel_loop3A_224, %parallel_loop3A_225 : i32
        %parallel_loop3A_227 = arith.constant 511 : i32
        %parallel_loop3A_228 = arith.andi %parallel_loop3A_224, %parallel_loop3A_227 : i32
        %parallel_loop3A_229 = tpu.assume_multiple %parallel_loop3A_228, 16 : i32
        %parallel_loop3A_230 = arith.index_cast %parallel_loop3A_226 : i32 to index
        %parallel_loop3A_231 = arith.index_cast %parallel_loop3A_229 : i32 to index
        %parallel_loop3A_232 = tpu.vector_load %arg8[%parallel_loop3A_230, %parallel_loop3A_231] {strides = array<i32>} : memref<32x512xf32, #tpu.memory_space<vmem>>, vector<1x16xf32>,
        %parallel_loop3A_233 = vector.shape_cast %parallel_loop3A_232 : vector<1x16xf32> to vector<16xf32>
        %parallel_loop3A_234 = arith.constant 1.600000e+01 : f32
        %parallel_loop3A_235 = vector.broadcast %parallel_loop3A_234 : f32 to vector<16xf32>
        %parallel_loop3A_236 = arith.mulf %parallel_loop3A_233, %parallel_loop3A_235 : vector<16xf32>
        %parallel_loop3A_237 = arith.fptosi %parallel_loop3A_236 : vector<16xf32> to vector<16xi32>
        %parallel_loop3A_238 = vector.shape_cast %parallel_loop3A_237 : vector<16xi32> to vector<16x1xi32>
        %parallel_loop3A_239 = vector.shape_cast %parallel_loop3A_238 : vector<16x1xi32> to vector<16xi32>
        %parallel_loop3A_240 = tpu.dynamic_gather %get3A_18[%parallel_loop3A_239] in [0] : vector<16xf32>, vector<16xi32> -> vector<16xf32>
        %parallel_loop3A_241 = vector.shape_cast %parallel_loop3A_237 : vector<16xi32> to vector<16x1xi32>
        %parallel_loop3A_242 = vector.shape_cast %parallel_loop3A_241 : vector<16x1xi32> to vector<16xi32>
        %parallel_loop3A_243 = tpu.dynamic_gather %get3A_21[%parallel_loop3A_242] in [0] : vector<16xf32>, vector<16xi32> -> vector<16xf32>
        %parallel_loop3A_244 = arith.mulf %parallel_loop3A_243, %parallel_loop3A_233 : vector<16xf32>
        %parallel_loop3A_245 = arith.addf %parallel_loop3A_240, %parallel_loop3A_244 : vector<16xf32>
        %parallel_loop3A_246 = arith.index_cast %parallel_loop3A_226 : i32 to index
        %parallel_loop3A_247 = arith.index_cast %parallel_loop3A_229 : i32 to index
        %parallel_loop3A_248 = tpu.vector_load %arg10[%parallel_loop3A_246, %parallel_loop3A_247] {strides = array<i32>} : memref<32x512xf32, #tpu.memory_space<vmem>>, vector<1x16xf32>,
        %parallel_loop3A_249 = vector.shape_cast %parallel_loop3A_248 : vector<1x16xf32> to vector<16xf32>
        %parallel_loop3A_250 = vector.shape_cast %parallel_loop3A_245 : vector<16xf32> to vector<1x16xf32>
        tpu.vector_store %arg10[%parallel_loop3A_246, %parallel_loop3A_247], %parallel_loop3A_250 {strides = array<i32>} : memref<32x512xf32, #tpu.memory_space<vmem>>, vector<1x16xf32>,
      } {sc.loop_unroll_factor = 8 : i64, sc.parallel_access}
      %mul3A_131 = arith.constant 32 : i32
      %mul3A_132 = arith.muli %mul3A_74, %mul3A_131 : i32
      %dma_start3A_133 = arith.constant 0 : i32
      %dma_start3A_134 = arith.constant 0 : i32
      %dma_start3A_135 = tpu.memref_slice %arg5[%add3A, %dma_start3A_133, %mul3A_132, %dma_start3A_134] : memref<32x3x512x512xf32, #tpu.memory_space<hbm>> -> memref<1x1x32x512xf32, #tpu.memory_space<hbm>>
      %dma_start3A_136 = tpu.memref_squeeze %dma_start3A_135 : memref<1x1x32x512xf32, #tpu.memory_space<hbm>> -> memref<32x512xf32, #tpu.memory_space<hbm>>
      %dma_start3A_137 = arith.constant 0 : i32
      %dma_start3A_138 = tpu.memref_slice %arg5[%add3A, %dma_start3A_133, %mul3A_132, %dma_start3A_137] : memref<32x3x512x512xf32, #tpu.memory_space<hbm>> -> memref<1x1x32x512xf32, #tpu.memory_space<hbm>>
      %dma_start3A_139 = tpu.memref_squeeze %dma_start3A_138 : memref<1x1x32x512xf32, #tpu.memory_space<hbm>> -> memref<32x512xf32, #tpu.memory_space<hbm>>
      tpu.enqueue_dma source(%arg10 : memref<32x512xf32, #tpu.memory_space<vmem>>) target(%dma_start3A_139 : memref<32x512xf32, #tpu.memory_space<hbm>>) target_semaphore(%arg14 : memref<!tpu.dma_semaphore, #tpu.memory_space<semaphore_mem>>)
      %mul3A_140 = arith.constant 2 : i32
      %mul3A_141 = arith.muli %scan3A_71, %mul3A_140 : i32
      %add3A_142 = arith.constant 1 : i32
      %add3A_143 = arith.addi %mul3A_141, %add3A_142 : i32
      %add3A_144 = arith.constant 0 : i32
      %add3A_145 = arith.addi %add3A_144, %add3A_143 : i32
      %add3A_146 = arith.constant 1 : i32
      %add3A_147 = arith.addi %add3A_145, %add3A_146 : i32
      %jit3A_148 = arith.constant 16 : i32
      %div3A_149 = arith.divsi %add3A_147, %jit3A_148 : i32
      %sign3A_150 = arith.constant 0 : i32
      %sign3A_151 = arith.cmpi sgt, %add3A_147, %sign3A_150 : i32
      %sign3A_152 = arith.extui %sign3A_151 : i1 to i32
      %sign3A_153 = arith.constant 0 : i32
      %sign3A_154 = arith.cmpi slt, %add3A_147, %sign3A_153 : i32
      %sign3A_155 = arith.extui %sign3A_154 : i1 to i32
      %sign3A_156 = arith.subi %sign3A_152, %sign3A_155 : i32
      %sign3A_157 = arith.constant 0 : i32
      %sign3A_158 = arith.cmpi sgt, %jit3A_148, %sign3A_157 : i32
      %sign3A_159 = arith.extui %sign3A_158 : i1 to i32
      %sign3A_160 = arith.constant 0 : i32
      %sign3A_161 = arith.cmpi slt, %jit3A_148, %sign3A_160 : i32
      %sign3A_162 = arith.extui %sign3A_161 : i1 to i32
      %sign3A_163 = arith.subi %sign3A_159, %sign3A_162 : i32
      %ne3A_164 = arith.cmpi ne, %sign3A_156, %sign3A_163 : i32
      %rem3A_165 = arith.remsi %add3A_147, %jit3A_148 : i32
      %ne3A_166 = arith.constant 0 : i32
      %ne3A_167 = arith.cmpi ne, %rem3A_165, %ne3A_166 : i32
      %and3A_168 = arith.andi %ne3A_164, %ne3A_167 : i1
      %sub3A_169 = arith.constant 1 : i32
      %sub3A_170 = arith.subi %div3A_149, %sub3A_169 : i32
      %select_n3A_171 = arith.select %and3A_168, %sub3A_170, %div3A_149 : i32
      %jit3A_172 = arith.constant 16 : i32
      %eq3A_173 = arith.constant 0 : i32
      %eq3A_174 = arith.cmpi eq, %jit3A_172, %eq3A_173 : i32
      %jit3A_175 = arith.constant 1 : i32
      %select_n3A_176 = arith.select %eq3A_174, %jit3A_175, %jit3A_172 : i32
      %rem3A_177 = arith.remsi %add3A_147, %select_n3A_176 : i32
      %ne3A_178 = arith.constant 0 : i32
      %ne3A_179 = arith.cmpi ne, %rem3A_177, %ne3A_178 : i32
      %lt3A_180 = arith.constant 0 : i32
      %lt3A_181 = arith.cmpi slt, %rem3A_177, %lt3A_180 : i32
      %lt3A_182 = arith.constant 0 : i32
      %lt3A_183 = arith.cmpi slt, %select_n3A_176, %lt3A_182 : i32
      %ne3A_184 = arith.xori %lt3A_181, %lt3A_183 : i1
      %and3A_185 = arith.andi %ne3A_184, %ne3A_179 : i1
      %add3A_186 = arith.addi %rem3A_177, %select_n3A_176 : i32
      %select_n3A_187 = arith.select %and3A_185, %add3A_186, %rem3A_177 : i32
      %lt3A_188 = arith.constant 48 : i32
      %lt3A_189 = arith.cmpi slt, %add3A_147, %lt3A_188 : i32
      %convert_element_type3A_190 = arith.extui %lt3A_189 : i1 to i32
      %cond3A_191 = arith.constant 0 : i32
      %cond3A_192 = arith.cmpi ne, %convert_element_type3A_190, %cond3A_191 : i32
      scf.if %cond3A_192 {
        %mul3A_224 = arith.constant 32 : i32
        %mul3A_225 = arith.muli %select_n3A_187, %mul3A_224 : i32
        %dma_start3A_226 = arith.constant 0 : i32
        %dma_start3A_227 = tpu.memref_slice %arg2[%add3A, %select_n3A_171, %mul3A_225, %dma_start3A_226] : memref<32x3x512x512xf32, #tpu.memory_space<hbm>> -> memref<1x1x32x512xf32, #tpu.memory_space<hbm>>
        %dma_start3A_228 = tpu.memref_squeeze %dma_start3A_227 : memref<1x1x32x512xf32, #tpu.memory_space<hbm>> -> memref<32x512xf32, #tpu.memory_space<hbm>>
        %dma_start3A_229 = arith.constant 0 : i32
        %dma_start3A_230 = tpu.memref_slice %arg2[%add3A, %select_n3A_171, %mul3A_225, %dma_start3A_229] : memref<32x3x512x512xf32, #tpu.memory_space<hbm>> -> memref<1x1x32x512xf32, #tpu.memory_space<hbm>>
        %dma_start3A_231 = tpu.memref_squeeze %dma_start3A_230 : memref<1x1x32x512xf32, #tpu.memory_space<hbm>> -> memref<32x512xf32, #tpu.memory_space<hbm>>
        tpu.enqueue_dma source(%dma_start3A_231 : memref<32x512xf32, #tpu.memory_space<hbm>>) target(%arg8 : memref<32x512xf32, #tpu.memory_space<vmem>>) target_semaphore(%arg12 : memref<!tpu.dma_semaphore, #tpu.memory_space<semaphore_mem>>)
      } else {
      }
      %mul3A_193 = arith.constant 32 : i32
      %mul3A_194 = arith.muli %add3A_143, %mul3A_193 : i32
      %dma_wait3A_195 = arith.constant 0 : i32
      %dma_wait3A_196 = arith.constant 0 : i32
      %dma_wait3A_197 = tpu.memref_slice %arg2[%add3A, %dma_wait3A_195, %mul3A_194, %dma_wait3A_196] : memref<32x3x512x512xf32, #tpu.memory_space<hbm>> -> memref<1x1x32x512xf32, #tpu.memory_space<hbm>>
      %dma_wait3A_198 = tpu.memref_squeeze %dma_wait3A_197 : memref<1x1x32x512xf32, #tpu.memory_space<hbm>> -> memref<32x512xf32, #tpu.memory_space<hbm>>
      %dma_wait3A_199 = arith.constant 0 : i32
      %dma_wait3A_200 = tpu.memref_slice %arg2[%add3A, %dma_wait3A_195, %mul3A_194, %dma_wait3A_199] : memref<32x3x512x512xf32, #tpu.memory_space<hbm>> -> memref<1x1x32x512xf32, #tpu.memory_space<hbm>>
      %dma_wait3A_201 = tpu.memref_squeeze %dma_wait3A_200 : memref<1x1x32x512xf32, #tpu.memory_space<hbm>> -> memref<32x512xf32, #tpu.memory_space<hbm>>
      tpu.wait_dma2 semaphore(%arg13 : memref<!tpu.dma_semaphore, #tpu.memory_space<semaphore_mem>>) src(%dma_wait3A_201 : memref<32x512xf32, #tpu.memory_space<hbm>>) dst(%arg9 : memref<32x512xf32, #tpu.memory_space<vmem>>)
      %add3A_202 = arith.constant 0 : i32
      %add3A_203 = arith.addi %add3A_202, %add3A_143 : i32
      %sub3A_204 = arith.constant 2 : i32
      %sub3A_205 = arith.subi %add3A_203, %sub3A_204 : i32
      %ge3A_206 = arith.constant 0 : i32
      %ge3A_207 = arith.cmpi sge, %sub3A_205, %ge3A_206 : i32
      %convert_element_type3A_208 = arith.extui %ge3A_207 : i1 to i32
      %cond3A_209 = arith.constant 0 : i32
      %cond3A_210 = arith.cmpi ne, %convert_element_type3A_208, %cond3A_209 : i32
      scf.if %cond3A_210 {
        %jit3A_224 = arith.constant 16 : i32
        %div3A_225 = arith.divsi %sub3A_205, %jit3A_224 : i32
        %sign3A_226 = arith.constant 0 : i32
        %sign3A_227 = arith.cmpi sgt, %sub3A_205, %sign3A_226 : i32
        %sign3A_228 = arith.extui %sign3A_227 : i1 to i32
        %sign3A_229 = arith.constant 0 : i32
        %sign3A_230 = arith.cmpi slt, %sub3A_205, %sign3A_229 : i32
        %sign3A_231 = arith.extui %sign3A_230 : i1 to i32
        %sign3A_232 = arith.subi %sign3A_228, %sign3A_231 : i32
        %sign3A_233 = arith.constant 0 : i32
        %sign3A_234 = arith.cmpi sgt, %jit3A_224, %sign3A_233 : i32
        %sign3A_235 = arith.extui %sign3A_234 : i1 to i32
        %sign3A_236 = arith.constant 0 : i32
        %sign3A_237 = arith.cmpi slt, %jit3A_224, %sign3A_236 : i32
        %sign3A_238 = arith.extui %sign3A_237 : i1 to i32
        %sign3A_239 = arith.subi %sign3A_235, %sign3A_238 : i32
        %ne3A_240 = arith.cmpi ne, %sign3A_232, %sign3A_239 : i32
        %rem3A_241 = arith.remsi %sub3A_205, %jit3A_224 : i32
        %ne3A_242 = arith.constant 0 : i32
        %ne3A_243 = arith.cmpi ne, %rem3A_241, %ne3A_242 : i32
        %and3A_244 = arith.andi %ne3A_240, %ne3A_243 : i1
        %sub3A_245 = arith.constant 1 : i32
        %sub3A_246 = arith.subi %div3A_225, %sub3A_245 : i32
        %select_n3A_247 = arith.select %and3A_244, %sub3A_246, %div3A_225 : i32
        %jit3A_248 = arith.constant 16 : i32
        %eq3A_249 = arith.constant 0 : i32
        %eq3A_250 = arith.cmpi eq, %jit3A_248, %eq3A_249 : i32
        %jit3A_251 = arith.constant 1 : i32
        %select_n3A_252 = arith.select %eq3A_250, %jit3A_251, %jit3A_248 : i32
        %rem3A_253 = arith.remsi %sub3A_205, %select_n3A_252 : i32
        %ne3A_254 = arith.constant 0 : i32
        %ne3A_255 = arith.cmpi ne, %rem3A_253, %ne3A_254 : i32
        %lt3A_256 = arith.constant 0 : i32
        %lt3A_257 = arith.cmpi slt, %rem3A_253, %lt3A_256 : i32
        %lt3A_258 = arith.constant 0 : i32
        %lt3A_259 = arith.cmpi slt, %select_n3A_252, %lt3A_258 : i32
        %ne3A_260 = arith.xori %lt3A_257, %lt3A_259 : i1
        %and3A_261 = arith.andi %ne3A_260, %ne3A_255 : i1
        %add3A_262 = arith.addi %rem3A_253, %select_n3A_252 : i32
        %select_n3A_263 = arith.select %and3A_261, %add3A_262, %rem3A_253 : i32
        %mul3A_264 = arith.constant 32 : i32
        %mul3A_265 = arith.muli %select_n3A_263, %mul3A_264 : i32
        %dma_wait3A_266 = arith.constant 0 : i32
        %dma_wait3A_267 = tpu.memref_slice %arg5[%add3A, %select_n3A_247, %mul3A_265, %dma_wait3A_266] : memref<32x3x512x512xf32, #tpu.memory_space<hbm>> -> memref<1x1x32x512xf32, #tpu.memory_space<hbm>>
        %dma_wait3A_268 = tpu.memref_squeeze %dma_wait3A_267 : memref<1x1x32x512xf32, #tpu.memory_space<hbm>> -> memref<32x512xf32, #tpu.memory_space<hbm>>
        %dma_wait3A_269 = arith.constant 0 : i32
        %dma_wait3A_270 = tpu.memref_slice %arg5[%add3A, %select_n3A_247, %mul3A_265, %dma_wait3A_269] : memref<32x3x512x512xf32, #tpu.memory_space<hbm>> -> memref<1x1x32x512xf32, #tpu.memory_space<hbm>>
        %dma_wait3A_271 = tpu.memref_squeeze %dma_wait3A_270 : memref<1x1x32x512xf32, #tpu.memory_space<hbm>> -> memref<32x512xf32, #tpu.memory_space<hbm>>
        tpu.wait_dma2 semaphore(%arg15 : memref<!tpu.dma_semaphore, #tpu.memory_space<semaphore_mem>>) src(%arg11 : memref<32x512xf32, #tpu.memory_space<vmem>>) dst(%dma_wait3A_271 : memref<32x512xf32, #tpu.memory_space<hbm>>)
      } else {
      }
      %parallel_loop3A_211 = arith.constant 0 : i32
      %parallel_loop3A_212 = arith.constant 16384 : i32
      %parallel_loop3A_213 = arith.constant 16 : i32
      scf.for %parallel_loop3A_224 = %parallel_loop3A_211 to %parallel_loop3A_212 step %parallel_loop3A_213  : i32 {
        %parallel_loop3A_225 = arith.constant 9 : i32
        %parallel_loop3A_226 = arith.shrui %parallel_loop3A_224, %parallel_loop3A_225 : i32
        %parallel_loop3A_227 = arith.constant 511 : i32
        %parallel_loop3A_228 = arith.andi %parallel_loop3A_224, %parallel_loop3A_227 : i32
        %parallel_loop3A_229 = tpu.assume_multiple %parallel_loop3A_228, 16 : i32
        %parallel_loop3A_230 = arith.index_cast %parallel_loop3A_226 : i32 to index
        %parallel_loop3A_231 = arith.index_cast %parallel_loop3A_229 : i32 to index
        %parallel_loop3A_232 = tpu.vector_load %arg9[%parallel_loop3A_230, %parallel_loop3A_231] {strides = array<i32>} : memref<32x512xf32, #tpu.memory_space<vmem>>, vector<1x16xf32>,
        %parallel_loop3A_233 = vector.shape_cast %parallel_loop3A_232 : vector<1x16xf32> to vector<16xf32>
        %parallel_loop3A_234 = arith.constant 1.600000e+01 : f32
        %parallel_loop3A_235 = vector.broadcast %parallel_loop3A_234 : f32 to vector<16xf32>
        %parallel_loop3A_236 = arith.mulf %parallel_loop3A_233, %parallel_loop3A_235 : vector<16xf32>
        %parallel_loop3A_237 = arith.fptosi %parallel_loop3A_236 : vector<16xf32> to vector<16xi32>
        %parallel_loop3A_238 = vector.shape_cast %parallel_loop3A_237 : vector<16xi32> to vector<16x1xi32>
        %parallel_loop3A_239 = vector.shape_cast %parallel_loop3A_238 : vector<16x1xi32> to vector<16xi32>
        %parallel_loop3A_240 = tpu.dynamic_gather %get3A_18[%parallel_loop3A_239] in [0] : vector<16xf32>, vector<16xi32> -> vector<16xf32>
        %parallel_loop3A_241 = vector.shape_cast %parallel_loop3A_237 : vector<16xi32> to vector<16x1xi32>
        %parallel_loop3A_242 = vector.shape_cast %parallel_loop3A_241 : vector<16x1xi32> to vector<16xi32>
        %parallel_loop3A_243 = tpu.dynamic_gather %get3A_21[%parallel_loop3A_242] in [0] : vector<16xf32>, vector<16xi32> -> vector<16xf32>
        %parallel_loop3A_244 = arith.mulf %parallel_loop3A_243, %parallel_loop3A_233 : vector<16xf32>
        %parallel_loop3A_245 = arith.addf %parallel_loop3A_240, %parallel_loop3A_244 : vector<16xf32>
        %parallel_loop3A_246 = arith.index_cast %parallel_loop3A_226 : i32 to index
        %parallel_loop3A_247 = arith.index_cast %parallel_loop3A_229 : i32 to index
        %parallel_loop3A_248 = tpu.vector_load %arg11[%parallel_loop3A_246, %parallel_loop3A_247] {strides = array<i32>} : memref<32x512xf32, #tpu.memory_space<vmem>>, vector<1x16xf32>,
        %parallel_loop3A_249 = vector.shape_cast %parallel_loop3A_248 : vector<1x16xf32> to vector<16xf32>
        %parallel_loop3A_250 = vector.shape_cast %parallel_loop3A_245 : vector<16xf32> to vector<1x16xf32>
        tpu.vector_store %arg11[%parallel_loop3A_246, %parallel_loop3A_247], %parallel_loop3A_250 {strides = array<i32>} : memref<32x512xf32, #tpu.memory_space<vmem>>, vector<1x16xf32>,
      } {sc.loop_unroll_factor = 8 : i64, sc.parallel_access}
      %mul3A_214 = arith.constant 32 : i32
      %mul3A_215 = arith.muli %add3A_143, %mul3A_214 : i32
      %dma_start3A_216 = arith.constant 0 : i32
      %dma_start3A_217 = arith.constant 0 : i32
      %dma_start3A_218 = tpu.memref_slice %arg5[%add3A, %dma_start3A_216, %mul3A_215, %dma_start3A_217] : memref<32x3x512x512xf32, #tpu.memory_space<hbm>> -> memref<1x1x32x512xf32, #tpu.memory_space<hbm>>
      %dma_start3A_219 = tpu.memref_squeeze %dma_start3A_218 : memref<1x1x32x512xf32, #tpu.memory_space<hbm>> -> memref<32x512xf32, #tpu.memory_space<hbm>>
      %dma_start3A_220 = arith.constant 0 : i32
      %dma_start3A_221 = tpu.memref_slice %arg5[%add3A, %dma_start3A_216, %mul3A_215, %dma_start3A_220] : memref<32x3x512x512xf32, #tpu.memory_space<hbm>> -> memref<1x1x32x512xf32, #tpu.memory_space<hbm>>
      %dma_start3A_222 = tpu.memref_squeeze %dma_start3A_221 : memref<1x1x32x512xf32, #tpu.memory_space<hbm>> -> memref<32x512xf32, #tpu.memory_space<hbm>>
      tpu.enqueue_dma source(%arg11 : memref<32x512xf32, #tpu.memory_space<vmem>>) target(%dma_start3A_222 : memref<32x512xf32, #tpu.memory_space<hbm>>) target_semaphore(%arg15 : memref<!tpu.dma_semaphore, #tpu.memory_space<semaphore_mem>>)
      %scan3A_223 = arith.constant 0 : i32
      scf.yield %scan3A_223 : i32
    }
    %scan3A_27 = arith.constant 8 : i32
    %get3A_28 = arith.constant 16 : index
    %get3A_29 = tpu.vector_load %arg6[%get3A_28] {strides = array<i32>} : memref<48xf32, #tpu.memory_space<vmem>>, vector<16xf32>,
    %get3A_30 = vector.shape_cast %get3A_29 : vector<16xf32> to vector<16xf32>
    %get3A_31 = arith.constant 16 : index
    %get3A_32 = tpu.vector_load %arg7[%get3A_31] {strides = array<i32>} : memref<48xf32, #tpu.memory_space<vmem>>, vector<16xf32>,
    %get3A_33 = vector.shape_cast %get3A_32 : vector<16xf32> to vector<16xf32>
    %scan3A_34 = arith.constant 0 : i32
    %scan3A_35 = arith.constant 0 : i32
    %scan3A_36 = arith.constant 8 : i32
    %scan3A_37 = arith.addi %scan3A_35, %scan3A_36 : i32
    %scan3A_38 = arith.constant 1 : i32
    %scan3A_39 = scf.for %scan3A_71 = %scan3A_35 to %scan3A_37 step %scan3A_38 iter_args(%scan3A_72 = %scan3A_34) -> (i32)  : i32 {
      %mul3A_73 = arith.constant 2 : i32
      %mul3A_74 = arith.muli %scan3A_71, %mul3A_73 : i32
      %add3A_75 = arith.constant 16 : i32
      %add3A_76 = arith.addi %add3A_75, %mul3A_74 : i32
      %add3A_77 = arith.constant 1 : i32
      %add3A_78 = arith.addi %add3A_76, %add3A_77 : i32
      %jit3A = arith.constant 16 : i32
      %div3A = arith.divsi %add3A_78, %jit3A : i32
      %sign3A = arith.constant 0 : i32
      %sign3A_79 = arith.cmpi sgt, %add3A_78, %sign3A : i32
      %sign3A_80 = arith.extui %sign3A_79 : i1 to i32
      %sign3A_81 = arith.constant 0 : i32
      %sign3A_82 = arith.cmpi slt, %add3A_78, %sign3A_81 : i32
      %sign3A_83 = arith.extui %sign3A_82 : i1 to i32
      %sign3A_84 = arith.subi %sign3A_80, %sign3A_83 : i32
      %sign3A_85 = arith.constant 0 : i32
      %sign3A_86 = arith.cmpi sgt, %jit3A, %sign3A_85 : i32
      %sign3A_87 = arith.extui %sign3A_86 : i1 to i32
      %sign3A_88 = arith.constant 0 : i32
      %sign3A_89 = arith.cmpi slt, %jit3A, %sign3A_88 : i32
      %sign3A_90 = arith.extui %sign3A_89 : i1 to i32
      %sign3A_91 = arith.subi %sign3A_87, %sign3A_90 : i32
      %ne3A = arith.cmpi ne, %sign3A_84, %sign3A_91 : i32
      %rem3A = arith.remsi %add3A_78, %jit3A : i32
      %ne3A_92 = arith.constant 0 : i32
      %ne3A_93 = arith.cmpi ne, %rem3A, %ne3A_92 : i32
      %and3A = arith.andi %ne3A, %ne3A_93 : i1
      %sub3A = arith.constant 1 : i32
      %sub3A_94 = arith.subi %div3A, %sub3A : i32
      %select_n3A = arith.select %and3A, %sub3A_94, %div3A : i32
      %jit3A_95 = arith.constant 16 : i32
      %eq3A = arith.constant 0 : i32
      %eq3A_96 = arith.cmpi eq, %jit3A_95, %eq3A : i32
      %jit3A_97 = arith.constant 1 : i32
      %select_n3A_98 = arith.select %eq3A_96, %jit3A_97, %jit3A_95 : i32
      %rem3A_99 = arith.remsi %add3A_78, %select_n3A_98 : i32
      %ne3A_100 = arith.constant 0 : i32
      %ne3A_101 = arith.cmpi ne, %rem3A_99, %ne3A_100 : i32
      %lt3A = arith.constant 0 : i32
      %lt3A_102 = arith.cmpi slt, %rem3A_99, %lt3A : i32
      %lt3A_103 = arith.constant 0 : i32
      %lt3A_104 = arith.cmpi slt, %select_n3A_98, %lt3A_103 : i32
      %ne3A_105 = arith.xori %lt3A_102, %lt3A_104 : i1
      %and3A_106 = arith.andi %ne3A_105, %ne3A_101 : i1
      %add3A_107 = arith.addi %rem3A_99, %select_n3A_98 : i32
      %select_n3A_108 = arith.select %and3A_106, %add3A_107, %rem3A_99 : i32
      %lt3A_109 = arith.constant 48 : i32
      %lt3A_110 = arith.cmpi slt, %add3A_78, %lt3A_109 : i32
      %convert_element_type3A = arith.extui %lt3A_110 : i1 to i32
      %cond3A = arith.constant 0 : i32
      %cond3A_111 = arith.cmpi ne, %convert_element_type3A, %cond3A : i32
      scf.if %cond3A_111 {
        %mul3A_224 = arith.constant 32 : i32
        %mul3A_225 = arith.muli %select_n3A_108, %mul3A_224 : i32
        %dma_start3A_226 = arith.constant 0 : i32
        %dma_start3A_227 = tpu.memref_slice %arg2[%add3A, %select_n3A, %mul3A_225, %dma_start3A_226] : memref<32x3x512x512xf32, #tpu.memory_space<hbm>> -> memref<1x1x32x512xf32, #tpu.memory_space<hbm>>
        %dma_start3A_228 = tpu.memref_squeeze %dma_start3A_227 : memref<1x1x32x512xf32, #tpu.memory_space<hbm>> -> memref<32x512xf32, #tpu.memory_space<hbm>>
        %dma_start3A_229 = arith.constant 0 : i32
        %dma_start3A_230 = tpu.memref_slice %arg2[%add3A, %select_n3A, %mul3A_225, %dma_start3A_229] : memref<32x3x512x512xf32, #tpu.memory_space<hbm>> -> memref<1x1x32x512xf32, #tpu.memory_space<hbm>>
        %dma_start3A_231 = tpu.memref_squeeze %dma_start3A_230 : memref<1x1x32x512xf32, #tpu.memory_space<hbm>> -> memref<32x512xf32, #tpu.memory_space<hbm>>
        tpu.enqueue_dma source(%dma_start3A_231 : memref<32x512xf32, #tpu.memory_space<hbm>>) target(%arg9 : memref<32x512xf32, #tpu.memory_space<vmem>>) target_semaphore(%arg13 : memref<!tpu.dma_semaphore, #tpu.memory_space<semaphore_mem>>)
      } else {
      }
      %mul3A_112 = arith.constant 32 : i32
      %mul3A_113 = arith.muli %mul3A_74, %mul3A_112 : i32
      %dma_wait3A_114 = arith.constant 1 : i32
      %dma_wait3A_115 = arith.constant 0 : i32
      %dma_wait3A_116 = tpu.memref_slice %arg2[%add3A, %dma_wait3A_114, %mul3A_113, %dma_wait3A_115] : memref<32x3x512x512xf32, #tpu.memory_space<hbm>> -> memref<1x1x32x512xf32, #tpu.memory_space<hbm>>
      %dma_wait3A_117 = tpu.memref_squeeze %dma_wait3A_116 : memref<1x1x32x512xf32, #tpu.memory_space<hbm>> -> memref<32x512xf32, #tpu.memory_space<hbm>>
      %dma_wait3A_118 = arith.constant 0 : i32
      %dma_wait3A_119 = tpu.memref_slice %arg2[%add3A, %dma_wait3A_114, %mul3A_113, %dma_wait3A_118] : memref<32x3x512x512xf32, #tpu.memory_space<hbm>> -> memref<1x1x32x512xf32, #tpu.memory_space<hbm>>
      %dma_wait3A_120 = tpu.memref_squeeze %dma_wait3A_119 : memref<1x1x32x512xf32, #tpu.memory_space<hbm>> -> memref<32x512xf32, #tpu.memory_space<hbm>>
      tpu.wait_dma2 semaphore(%arg12 : memref<!tpu.dma_semaphore, #tpu.memory_space<semaphore_mem>>) src(%dma_wait3A_120 : memref<32x512xf32, #tpu.memory_space<hbm>>) dst(%arg8 : memref<32x512xf32, #tpu.memory_space<vmem>>)
      %add3A_121 = arith.constant 16 : i32
      %add3A_122 = arith.addi %add3A_121, %mul3A_74 : i32
      %sub3A_123 = arith.constant 2 : i32
      %sub3A_124 = arith.subi %add3A_122, %sub3A_123 : i32
      %ge3A = arith.constant 0 : i32
      %ge3A_125 = arith.cmpi sge, %sub3A_124, %ge3A : i32
      %convert_element_type3A_126 = arith.extui %ge3A_125 : i1 to i32
      %cond3A_127 = arith.constant 0 : i32
      %cond3A_128 = arith.cmpi ne, %convert_element_type3A_126, %cond3A_127 : i32
      scf.if %cond3A_128 {
        %jit3A_224 = arith.constant 16 : i32
        %div3A_225 = arith.divsi %sub3A_124, %jit3A_224 : i32
        %sign3A_226 = arith.constant 0 : i32
        %sign3A_227 = arith.cmpi sgt, %sub3A_124, %sign3A_226 : i32
        %sign3A_228 = arith.extui %sign3A_227 : i1 to i32
        %sign3A_229 = arith.constant 0 : i32
        %sign3A_230 = arith.cmpi slt, %sub3A_124, %sign3A_229 : i32
        %sign3A_231 = arith.extui %sign3A_230 : i1 to i32
        %sign3A_232 = arith.subi %sign3A_228, %sign3A_231 : i32
        %sign3A_233 = arith.constant 0 : i32
        %sign3A_234 = arith.cmpi sgt, %jit3A_224, %sign3A_233 : i32
        %sign3A_235 = arith.extui %sign3A_234 : i1 to i32
        %sign3A_236 = arith.constant 0 : i32
        %sign3A_237 = arith.cmpi slt, %jit3A_224, %sign3A_236 : i32
        %sign3A_238 = arith.extui %sign3A_237 : i1 to i32
        %sign3A_239 = arith.subi %sign3A_235, %sign3A_238 : i32
        %ne3A_240 = arith.cmpi ne, %sign3A_232, %sign3A_239 : i32
        %rem3A_241 = arith.remsi %sub3A_124, %jit3A_224 : i32
        %ne3A_242 = arith.constant 0 : i32
        %ne3A_243 = arith.cmpi ne, %rem3A_241, %ne3A_242 : i32
        %and3A_244 = arith.andi %ne3A_240, %ne3A_243 : i1
        %sub3A_245 = arith.constant 1 : i32
        %sub3A_246 = arith.subi %div3A_225, %sub3A_245 : i32
        %select_n3A_247 = arith.select %and3A_244, %sub3A_246, %div3A_225 : i32
        %jit3A_248 = arith.constant 16 : i32
        %eq3A_249 = arith.constant 0 : i32
        %eq3A_250 = arith.cmpi eq, %jit3A_248, %eq3A_249 : i32
        %jit3A_251 = arith.constant 1 : i32
        %select_n3A_252 = arith.select %eq3A_250, %jit3A_251, %jit3A_248 : i32
        %rem3A_253 = arith.remsi %sub3A_124, %select_n3A_252 : i32
        %ne3A_254 = arith.constant 0 : i32
        %ne3A_255 = arith.cmpi ne, %rem3A_253, %ne3A_254 : i32
        %lt3A_256 = arith.constant 0 : i32
        %lt3A_257 = arith.cmpi slt, %rem3A_253, %lt3A_256 : i32
        %lt3A_258 = arith.constant 0 : i32
        %lt3A_259 = arith.cmpi slt, %select_n3A_252, %lt3A_258 : i32
        %ne3A_260 = arith.xori %lt3A_257, %lt3A_259 : i1
        %and3A_261 = arith.andi %ne3A_260, %ne3A_255 : i1
        %add3A_262 = arith.addi %rem3A_253, %select_n3A_252 : i32
        %select_n3A_263 = arith.select %and3A_261, %add3A_262, %rem3A_253 : i32
        %mul3A_264 = arith.constant 32 : i32
        %mul3A_265 = arith.muli %select_n3A_263, %mul3A_264 : i32
        %dma_wait3A_266 = arith.constant 0 : i32
        %dma_wait3A_267 = tpu.memref_slice %arg5[%add3A, %select_n3A_247, %mul3A_265, %dma_wait3A_266] : memref<32x3x512x512xf32, #tpu.memory_space<hbm>> -> memref<1x1x32x512xf32, #tpu.memory_space<hbm>>
        %dma_wait3A_268 = tpu.memref_squeeze %dma_wait3A_267 : memref<1x1x32x512xf32, #tpu.memory_space<hbm>> -> memref<32x512xf32, #tpu.memory_space<hbm>>
        %dma_wait3A_269 = arith.constant 0 : i32
        %dma_wait3A_270 = tpu.memref_slice %arg5[%add3A, %select_n3A_247, %mul3A_265, %dma_wait3A_269] : memref<32x3x512x512xf32, #tpu.memory_space<hbm>> -> memref<1x1x32x512xf32, #tpu.memory_space<hbm>>
        %dma_wait3A_271 = tpu.memref_squeeze %dma_wait3A_270 : memref<1x1x32x512xf32, #tpu.memory_space<hbm>> -> memref<32x512xf32, #tpu.memory_space<hbm>>
        tpu.wait_dma2 semaphore(%arg14 : memref<!tpu.dma_semaphore, #tpu.memory_space<semaphore_mem>>) src(%arg10 : memref<32x512xf32, #tpu.memory_space<vmem>>) dst(%dma_wait3A_271 : memref<32x512xf32, #tpu.memory_space<hbm>>)
      } else {
      }
      %parallel_loop3A = arith.constant 0 : i32
      %parallel_loop3A_129 = arith.constant 16384 : i32
      %parallel_loop3A_130 = arith.constant 16 : i32
      scf.for %parallel_loop3A_224 = %parallel_loop3A to %parallel_loop3A_129 step %parallel_loop3A_130  : i32 {
        %parallel_loop3A_225 = arith.constant 9 : i32
        %parallel_loop3A_226 = arith.shrui %parallel_loop3A_224, %parallel_loop3A_225 : i32
        %parallel_loop3A_227 = arith.constant 511 : i32
        %parallel_loop3A_228 = arith.andi %parallel_loop3A_224, %parallel_loop3A_227 : i32
        %parallel_loop3A_229 = tpu.assume_multiple %parallel_loop3A_228, 16 : i32
        %parallel_loop3A_230 = arith.index_cast %parallel_loop3A_226 : i32 to index
        %parallel_loop3A_231 = arith.index_cast %parallel_loop3A_229 : i32 to index
        %parallel_loop3A_232 = tpu.vector_load %arg8[%parallel_loop3A_230, %parallel_loop3A_231] {strides = array<i32>} : memref<32x512xf32, #tpu.memory_space<vmem>>, vector<1x16xf32>,
        %parallel_loop3A_233 = vector.shape_cast %parallel_loop3A_232 : vector<1x16xf32> to vector<16xf32>
        %parallel_loop3A_234 = arith.constant 1.600000e+01 : f32
        %parallel_loop3A_235 = vector.broadcast %parallel_loop3A_234 : f32 to vector<16xf32>
        %parallel_loop3A_236 = arith.mulf %parallel_loop3A_233, %parallel_loop3A_235 : vector<16xf32>
        %parallel_loop3A_237 = arith.fptosi %parallel_loop3A_236 : vector<16xf32> to vector<16xi32>
        %parallel_loop3A_238 = vector.shape_cast %parallel_loop3A_237 : vector<16xi32> to vector<16x1xi32>
        %parallel_loop3A_239 = vector.shape_cast %parallel_loop3A_238 : vector<16x1xi32> to vector<16xi32>
        %parallel_loop3A_240 = tpu.dynamic_gather %get3A_30[%parallel_loop3A_239] in [0] : vector<16xf32>, vector<16xi32> -> vector<16xf32>
        %parallel_loop3A_241 = vector.shape_cast %parallel_loop3A_237 : vector<16xi32> to vector<16x1xi32>
        %parallel_loop3A_242 = vector.shape_cast %parallel_loop3A_241 : vector<16x1xi32> to vector<16xi32>
        %parallel_loop3A_243 = tpu.dynamic_gather %get3A_33[%parallel_loop3A_242] in [0] : vector<16xf32>, vector<16xi32> -> vector<16xf32>
        %parallel_loop3A_244 = arith.mulf %parallel_loop3A_243, %parallel_loop3A_233 : vector<16xf32>
        %parallel_loop3A_245 = arith.addf %parallel_loop3A_240, %parallel_loop3A_244 : vector<16xf32>
        %parallel_loop3A_246 = arith.index_cast %parallel_loop3A_226 : i32 to index
        %parallel_loop3A_247 = arith.index_cast %parallel_loop3A_229 : i32 to index
        %parallel_loop3A_248 = tpu.vector_load %arg10[%parallel_loop3A_246, %parallel_loop3A_247] {strides = array<i32>} : memref<32x512xf32, #tpu.memory_space<vmem>>, vector<1x16xf32>,
        %parallel_loop3A_249 = vector.shape_cast %parallel_loop3A_248 : vector<1x16xf32> to vector<16xf32>
        %parallel_loop3A_250 = vector.shape_cast %parallel_loop3A_245 : vector<16xf32> to vector<1x16xf32>
        tpu.vector_store %arg10[%parallel_loop3A_246, %parallel_loop3A_247], %parallel_loop3A_250 {strides = array<i32>} : memref<32x512xf32, #tpu.memory_space<vmem>>, vector<1x16xf32>,
      } {sc.loop_unroll_factor = 8 : i64, sc.parallel_access}
      %mul3A_131 = arith.constant 32 : i32
      %mul3A_132 = arith.muli %mul3A_74, %mul3A_131 : i32
      %dma_start3A_133 = arith.constant 1 : i32
      %dma_start3A_134 = arith.constant 0 : i32
      %dma_start3A_135 = tpu.memref_slice %arg5[%add3A, %dma_start3A_133, %mul3A_132, %dma_start3A_134] : memref<32x3x512x512xf32, #tpu.memory_space<hbm>> -> memref<1x1x32x512xf32, #tpu.memory_space<hbm>>
      %dma_start3A_136 = tpu.memref_squeeze %dma_start3A_135 : memref<1x1x32x512xf32, #tpu.memory_space<hbm>> -> memref<32x512xf32, #tpu.memory_space<hbm>>
      %dma_start3A_137 = arith.constant 0 : i32
      %dma_start3A_138 = tpu.memref_slice %arg5[%add3A, %dma_start3A_133, %mul3A_132, %dma_start3A_137] : memref<32x3x512x512xf32, #tpu.memory_space<hbm>> -> memref<1x1x32x512xf32, #tpu.memory_space<hbm>>
      %dma_start3A_139 = tpu.memref_squeeze %dma_start3A_138 : memref<1x1x32x512xf32, #tpu.memory_space<hbm>> -> memref<32x512xf32, #tpu.memory_space<hbm>>
      tpu.enqueue_dma source(%arg10 : memref<32x512xf32, #tpu.memory_space<vmem>>) target(%dma_start3A_139 : memref<32x512xf32, #tpu.memory_space<hbm>>) target_semaphore(%arg14 : memref<!tpu.dma_semaphore, #tpu.memory_space<semaphore_mem>>)
      %mul3A_140 = arith.constant 2 : i32
      %mul3A_141 = arith.muli %scan3A_71, %mul3A_140 : i32
      %add3A_142 = arith.constant 1 : i32
      %add3A_143 = arith.addi %mul3A_141, %add3A_142 : i32
      %add3A_144 = arith.constant 16 : i32
      %add3A_145 = arith.addi %add3A_144, %add3A_143 : i32
      %add3A_146 = arith.constant 1 : i32
      %add3A_147 = arith.addi %add3A_145, %add3A_146 : i32
      %jit3A_148 = arith.constant 16 : i32
      %div3A_149 = arith.divsi %add3A_147, %jit3A_148 : i32
      %sign3A_150 = arith.constant 0 : i32
      %sign3A_151 = arith.cmpi sgt, %add3A_147, %sign3A_150 : i32
      %sign3A_152 = arith.extui %sign3A_151 : i1 to i32
      %sign3A_153 = arith.constant 0 : i32
      %sign3A_154 = arith.cmpi slt, %add3A_147, %sign3A_153 : i32
      %sign3A_155 = arith.extui %sign3A_154 : i1 to i32
      %sign3A_156 = arith.subi %sign3A_152, %sign3A_155 : i32
      %sign3A_157 = arith.constant 0 : i32
      %sign3A_158 = arith.cmpi sgt, %jit3A_148, %sign3A_157 : i32
      %sign3A_159 = arith.extui %sign3A_158 : i1 to i32
      %sign3A_160 = arith.constant 0 : i32
      %sign3A_161 = arith.cmpi slt, %jit3A_148, %sign3A_160 : i32
      %sign3A_162 = arith.extui %sign3A_161 : i1 to i32
      %sign3A_163 = arith.subi %sign3A_159, %sign3A_162 : i32
      %ne3A_164 = arith.cmpi ne, %sign3A_156, %sign3A_163 : i32
      %rem3A_165 = arith.remsi %add3A_147, %jit3A_148 : i32
      %ne3A_166 = arith.constant 0 : i32
      %ne3A_167 = arith.cmpi ne, %rem3A_165, %ne3A_166 : i32
      %and3A_168 = arith.andi %ne3A_164, %ne3A_167 : i1
      %sub3A_169 = arith.constant 1 : i32
      %sub3A_170 = arith.subi %div3A_149, %sub3A_169 : i32
      %select_n3A_171 = arith.select %and3A_168, %sub3A_170, %div3A_149 : i32
      %jit3A_172 = arith.constant 16 : i32
      %eq3A_173 = arith.constant 0 : i32
      %eq3A_174 = arith.cmpi eq, %jit3A_172, %eq3A_173 : i32
      %jit3A_175 = arith.constant 1 : i32
      %select_n3A_176 = arith.select %eq3A_174, %jit3A_175, %jit3A_172 : i32
      %rem3A_177 = arith.remsi %add3A_147, %select_n3A_176 : i32
      %ne3A_178 = arith.constant 0 : i32
      %ne3A_179 = arith.cmpi ne, %rem3A_177, %ne3A_178 : i32
      %lt3A_180 = arith.constant 0 : i32
      %lt3A_181 = arith.cmpi slt, %rem3A_177, %lt3A_180 : i32
      %lt3A_182 = arith.constant 0 : i32
      %lt3A_183 = arith.cmpi slt, %select_n3A_176, %lt3A_182 : i32
      %ne3A_184 = arith.xori %lt3A_181, %lt3A_183 : i1
      %and3A_185 = arith.andi %ne3A_184, %ne3A_179 : i1
      %add3A_186 = arith.addi %rem3A_177, %select_n3A_176 : i32
      %select_n3A_187 = arith.select %and3A_185, %add3A_186, %rem3A_177 : i32
      %lt3A_188 = arith.constant 48 : i32
      %lt3A_189 = arith.cmpi slt, %add3A_147, %lt3A_188 : i32
      %convert_element_type3A_190 = arith.extui %lt3A_189 : i1 to i32
      %cond3A_191 = arith.constant 0 : i32
      %cond3A_192 = arith.cmpi ne, %convert_element_type3A_190, %cond3A_191 : i32
      scf.if %cond3A_192 {
        %mul3A_224 = arith.constant 32 : i32
        %mul3A_225 = arith.muli %select_n3A_187, %mul3A_224 : i32
        %dma_start3A_226 = arith.constant 0 : i32
        %dma_start3A_227 = tpu.memref_slice %arg2[%add3A, %select_n3A_171, %mul3A_225, %dma_start3A_226] : memref<32x3x512x512xf32, #tpu.memory_space<hbm>> -> memref<1x1x32x512xf32, #tpu.memory_space<hbm>>
        %dma_start3A_228 = tpu.memref_squeeze %dma_start3A_227 : memref<1x1x32x512xf32, #tpu.memory_space<hbm>> -> memref<32x512xf32, #tpu.memory_space<hbm>>
        %dma_start3A_229 = arith.constant 0 : i32
        %dma_start3A_230 = tpu.memref_slice %arg2[%add3A, %select_n3A_171, %mul3A_225, %dma_start3A_229] : memref<32x3x512x512xf32, #tpu.memory_space<hbm>> -> memref<1x1x32x512xf32, #tpu.memory_space<hbm>>
        %dma_start3A_231 = tpu.memref_squeeze %dma_start3A_230 : memref<1x1x32x512xf32, #tpu.memory_space<hbm>> -> memref<32x512xf32, #tpu.memory_space<hbm>>
        tpu.enqueue_dma source(%dma_start3A_231 : memref<32x512xf32, #tpu.memory_space<hbm>>) target(%arg8 : memref<32x512xf32, #tpu.memory_space<vmem>>) target_semaphore(%arg12 : memref<!tpu.dma_semaphore, #tpu.memory_space<semaphore_mem>>)
      } else {
      }
      %mul3A_193 = arith.constant 32 : i32
      %mul3A_194 = arith.muli %add3A_143, %mul3A_193 : i32
      %dma_wait3A_195 = arith.constant 1 : i32
      %dma_wait3A_196 = arith.constant 0 : i32
      %dma_wait3A_197 = tpu.memref_slice %arg2[%add3A, %dma_wait3A_195, %mul3A_194, %dma_wait3A_196] : memref<32x3x512x512xf32, #tpu.memory_space<hbm>> -> memref<1x1x32x512xf32, #tpu.memory_space<hbm>>
      %dma_wait3A_198 = tpu.memref_squeeze %dma_wait3A_197 : memref<1x1x32x512xf32, #tpu.memory_space<hbm>> -> memref<32x512xf32, #tpu.memory_space<hbm>>
      %dma_wait3A_199 = arith.constant 0 : i32
      %dma_wait3A_200 = tpu.memref_slice %arg2[%add3A, %dma_wait3A_195, %mul3A_194, %dma_wait3A_199] : memref<32x3x512x512xf32, #tpu.memory_space<hbm>> -> memref<1x1x32x512xf32, #tpu.memory_space<hbm>>
      %dma_wait3A_201 = tpu.memref_squeeze %dma_wait3A_200 : memref<1x1x32x512xf32, #tpu.memory_space<hbm>> -> memref<32x512xf32, #tpu.memory_space<hbm>>
      tpu.wait_dma2 semaphore(%arg13 : memref<!tpu.dma_semaphore, #tpu.memory_space<semaphore_mem>>) src(%dma_wait3A_201 : memref<32x512xf32, #tpu.memory_space<hbm>>) dst(%arg9 : memref<32x512xf32, #tpu.memory_space<vmem>>)
      %add3A_202 = arith.constant 16 : i32
      %add3A_203 = arith.addi %add3A_202, %add3A_143 : i32
      %sub3A_204 = arith.constant 2 : i32
      %sub3A_205 = arith.subi %add3A_203, %sub3A_204 : i32
      %ge3A_206 = arith.constant 0 : i32
      %ge3A_207 = arith.cmpi sge, %sub3A_205, %ge3A_206 : i32
      %convert_element_type3A_208 = arith.extui %ge3A_207 : i1 to i32
      %cond3A_209 = arith.constant 0 : i32
      %cond3A_210 = arith.cmpi ne, %convert_element_type3A_208, %cond3A_209 : i32
      scf.if %cond3A_210 {
        %jit3A_224 = arith.constant 16 : i32
        %div3A_225 = arith.divsi %sub3A_205, %jit3A_224 : i32
        %sign3A_226 = arith.constant 0 : i32
        %sign3A_227 = arith.cmpi sgt, %sub3A_205, %sign3A_226 : i32
        %sign3A_228 = arith.extui %sign3A_227 : i1 to i32
        %sign3A_229 = arith.constant 0 : i32
        %sign3A_230 = arith.cmpi slt, %sub3A_205, %sign3A_229 : i32
        %sign3A_231 = arith.extui %sign3A_230 : i1 to i32
        %sign3A_232 = arith.subi %sign3A_228, %sign3A_231 : i32
        %sign3A_233 = arith.constant 0 : i32
        %sign3A_234 = arith.cmpi sgt, %jit3A_224, %sign3A_233 : i32
        %sign3A_235 = arith.extui %sign3A_234 : i1 to i32
        %sign3A_236 = arith.constant 0 : i32
        %sign3A_237 = arith.cmpi slt, %jit3A_224, %sign3A_236 : i32
        %sign3A_238 = arith.extui %sign3A_237 : i1 to i32
        %sign3A_239 = arith.subi %sign3A_235, %sign3A_238 : i32
        %ne3A_240 = arith.cmpi ne, %sign3A_232, %sign3A_239 : i32
        %rem3A_241 = arith.remsi %sub3A_205, %jit3A_224 : i32
        %ne3A_242 = arith.constant 0 : i32
        %ne3A_243 = arith.cmpi ne, %rem3A_241, %ne3A_242 : i32
        %and3A_244 = arith.andi %ne3A_240, %ne3A_243 : i1
        %sub3A_245 = arith.constant 1 : i32
        %sub3A_246 = arith.subi %div3A_225, %sub3A_245 : i32
        %select_n3A_247 = arith.select %and3A_244, %sub3A_246, %div3A_225 : i32
        %jit3A_248 = arith.constant 16 : i32
        %eq3A_249 = arith.constant 0 : i32
        %eq3A_250 = arith.cmpi eq, %jit3A_248, %eq3A_249 : i32
        %jit3A_251 = arith.constant 1 : i32
        %select_n3A_252 = arith.select %eq3A_250, %jit3A_251, %jit3A_248 : i32
        %rem3A_253 = arith.remsi %sub3A_205, %select_n3A_252 : i32
        %ne3A_254 = arith.constant 0 : i32
        %ne3A_255 = arith.cmpi ne, %rem3A_253, %ne3A_254 : i32
        %lt3A_256 = arith.constant 0 : i32
        %lt3A_257 = arith.cmpi slt, %rem3A_253, %lt3A_256 : i32
        %lt3A_258 = arith.constant 0 : i32
        %lt3A_259 = arith.cmpi slt, %select_n3A_252, %lt3A_258 : i32
        %ne3A_260 = arith.xori %lt3A_257, %lt3A_259 : i1
        %and3A_261 = arith.andi %ne3A_260, %ne3A_255 : i1
        %add3A_262 = arith.addi %rem3A_253, %select_n3A_252 : i32
        %select_n3A_263 = arith.select %and3A_261, %add3A_262, %rem3A_253 : i32
        %mul3A_264 = arith.constant 32 : i32
        %mul3A_265 = arith.muli %select_n3A_263, %mul3A_264 : i32
        %dma_wait3A_266 = arith.constant 0 : i32
        %dma_wait3A_267 = tpu.memref_slice %arg5[%add3A, %select_n3A_247, %mul3A_265, %dma_wait3A_266] : memref<32x3x512x512xf32, #tpu.memory_space<hbm>> -> memref<1x1x32x512xf32, #tpu.memory_space<hbm>>
        %dma_wait3A_268 = tpu.memref_squeeze %dma_wait3A_267 : memref<1x1x32x512xf32, #tpu.memory_space<hbm>> -> memref<32x512xf32, #tpu.memory_space<hbm>>
        %dma_wait3A_269 = arith.constant 0 : i32
        %dma_wait3A_270 = tpu.memref_slice %arg5[%add3A, %select_n3A_247, %mul3A_265, %dma_wait3A_269] : memref<32x3x512x512xf32, #tpu.memory_space<hbm>> -> memref<1x1x32x512xf32, #tpu.memory_space<hbm>>
        %dma_wait3A_271 = tpu.memref_squeeze %dma_wait3A_270 : memref<1x1x32x512xf32, #tpu.memory_space<hbm>> -> memref<32x512xf32, #tpu.memory_space<hbm>>
        tpu.wait_dma2 semaphore(%arg15 : memref<!tpu.dma_semaphore, #tpu.memory_space<semaphore_mem>>) src(%arg11 : memref<32x512xf32, #tpu.memory_space<vmem>>) dst(%dma_wait3A_271 : memref<32x512xf32, #tpu.memory_space<hbm>>)
      } else {
      }
      %parallel_loop3A_211 = arith.constant 0 : i32
      %parallel_loop3A_212 = arith.constant 16384 : i32
      %parallel_loop3A_213 = arith.constant 16 : i32
      scf.for %parallel_loop3A_224 = %parallel_loop3A_211 to %parallel_loop3A_212 step %parallel_loop3A_213  : i32 {
        %parallel_loop3A_225 = arith.constant 9 : i32
        %parallel_loop3A_226 = arith.shrui %parallel_loop3A_224, %parallel_loop3A_225 : i32
        %parallel_loop3A_227 = arith.constant 511 : i32
        %parallel_loop3A_228 = arith.andi %parallel_loop3A_224, %parallel_loop3A_227 : i32
        %parallel_loop3A_229 = tpu.assume_multiple %parallel_loop3A_228, 16 : i32
        %parallel_loop3A_230 = arith.index_cast %parallel_loop3A_226 : i32 to index
        %parallel_loop3A_231 = arith.index_cast %parallel_loop3A_229 : i32 to index
        %parallel_loop3A_232 = tpu.vector_load %arg9[%parallel_loop3A_230, %parallel_loop3A_231] {strides = array<i32>} : memref<32x512xf32, #tpu.memory_space<vmem>>, vector<1x16xf32>,
        %parallel_loop3A_233 = vector.shape_cast %parallel_loop3A_232 : vector<1x16xf32> to vector<16xf32>
        %parallel_loop3A_234 = arith.constant 1.600000e+01 : f32
        %parallel_loop3A_235 = vector.broadcast %parallel_loop3A_234 : f32 to vector<16xf32>
        %parallel_loop3A_236 = arith.mulf %parallel_loop3A_233, %parallel_loop3A_235 : vector<16xf32>
        %parallel_loop3A_237 = arith.fptosi %parallel_loop3A_236 : vector<16xf32> to vector<16xi32>
        %parallel_loop3A_238 = vector.shape_cast %parallel_loop3A_237 : vector<16xi32> to vector<16x1xi32>
        %parallel_loop3A_239 = vector.shape_cast %parallel_loop3A_238 : vector<16x1xi32> to vector<16xi32>
        %parallel_loop3A_240 = tpu.dynamic_gather %get3A_30[%parallel_loop3A_239] in [0] : vector<16xf32>, vector<16xi32> -> vector<16xf32>
        %parallel_loop3A_241 = vector.shape_cast %parallel_loop3A_237 : vector<16xi32> to vector<16x1xi32>
        %parallel_loop3A_242 = vector.shape_cast %parallel_loop3A_241 : vector<16x1xi32> to vector<16xi32>
        %parallel_loop3A_243 = tpu.dynamic_gather %get3A_33[%parallel_loop3A_242] in [0] : vector<16xf32>, vector<16xi32> -> vector<16xf32>
        %parallel_loop3A_244 = arith.mulf %parallel_loop3A_243, %parallel_loop3A_233 : vector<16xf32>
        %parallel_loop3A_245 = arith.addf %parallel_loop3A_240, %parallel_loop3A_244 : vector<16xf32>
        %parallel_loop3A_246 = arith.index_cast %parallel_loop3A_226 : i32 to index
        %parallel_loop3A_247 = arith.index_cast %parallel_loop3A_229 : i32 to index
        %parallel_loop3A_248 = tpu.vector_load %arg11[%parallel_loop3A_246, %parallel_loop3A_247] {strides = array<i32>} : memref<32x512xf32, #tpu.memory_space<vmem>>, vector<1x16xf32>,
        %parallel_loop3A_249 = vector.shape_cast %parallel_loop3A_248 : vector<1x16xf32> to vector<16xf32>
        %parallel_loop3A_250 = vector.shape_cast %parallel_loop3A_245 : vector<16xf32> to vector<1x16xf32>
        tpu.vector_store %arg11[%parallel_loop3A_246, %parallel_loop3A_247], %parallel_loop3A_250 {strides = array<i32>} : memref<32x512xf32, #tpu.memory_space<vmem>>, vector<1x16xf32>,
      } {sc.loop_unroll_factor = 8 : i64, sc.parallel_access}
      %mul3A_214 = arith.constant 32 : i32
      %mul3A_215 = arith.muli %add3A_143, %mul3A_214 : i32
      %dma_start3A_216 = arith.constant 1 : i32
      %dma_start3A_217 = arith.constant 0 : i32
      %dma_start3A_218 = tpu.memref_slice %arg5[%add3A, %dma_start3A_216, %mul3A_215, %dma_start3A_217] : memref<32x3x512x512xf32, #tpu.memory_space<hbm>> -> memref<1x1x32x512xf32, #tpu.memory_space<hbm>>
      %dma_start3A_219 = tpu.memref_squeeze %dma_start3A_218 : memref<1x1x32x512xf32, #tpu.memory_space<hbm>> -> memref<32x512xf32, #tpu.memory_space<hbm>>
      %dma_start3A_220 = arith.constant 0 : i32
      %dma_start3A_221 = tpu.memref_slice %arg5[%add3A, %dma_start3A_216, %mul3A_215, %dma_start3A_220] : memref<32x3x512x512xf32, #tpu.memory_space<hbm>> -> memref<1x1x32x512xf32, #tpu.memory_space<hbm>>
      %dma_start3A_222 = tpu.memref_squeeze %dma_start3A_221 : memref<1x1x32x512xf32, #tpu.memory_space<hbm>> -> memref<32x512xf32, #tpu.memory_space<hbm>>
      tpu.enqueue_dma source(%arg11 : memref<32x512xf32, #tpu.memory_space<vmem>>) target(%dma_start3A_222 : memref<32x512xf32, #tpu.memory_space<hbm>>) target_semaphore(%arg15 : memref<!tpu.dma_semaphore, #tpu.memory_space<semaphore_mem>>)
      %scan3A_223 = arith.constant 0 : i32
      scf.yield %scan3A_223 : i32
    }
    %scan3A_40 = arith.constant 8 : i32
    %get3A_41 = arith.constant 32 : index
    %get3A_42 = tpu.vector_load %arg6[%get3A_41] {strides = array<i32>} : memref<48xf32, #tpu.memory_space<vmem>>, vector<16xf32>,
    %get3A_43 = vector.shape_cast %get3A_42 : vector<16xf32> to vector<16xf32>
    %get3A_44 = arith.constant 32 : index
    %get3A_45 = tpu.vector_load %arg7[%get3A_44] {strides = array<i32>} : memref<48xf32, #tpu.memory_space<vmem>>, vector<16xf32>,
    %get3A_46 = vector.shape_cast %get3A_45 : vector<16xf32> to vector<16xf32>
    %scan3A_47 = arith.constant 0 : i32
    %scan3A_48 = arith.constant 0 : i32
    %scan3A_49 = arith.constant 8 : i32
    %scan3A_50 = arith.addi %scan3A_48, %scan3A_49 : i32
    %scan3A_51 = arith.constant 1 : i32
    %scan3A_52 = scf.for %scan3A_71 = %scan3A_48 to %scan3A_50 step %scan3A_51 iter_args(%scan3A_72 = %scan3A_47) -> (i32)  : i32 {
      %mul3A_73 = arith.constant 2 : i32
      %mul3A_74 = arith.muli %scan3A_71, %mul3A_73 : i32
      %add3A_75 = arith.constant 32 : i32
      %add3A_76 = arith.addi %add3A_75, %mul3A_74 : i32
      %add3A_77 = arith.constant 1 : i32
      %add3A_78 = arith.addi %add3A_76, %add3A_77 : i32
      %jit3A = arith.constant 16 : i32
      %div3A = arith.divsi %add3A_78, %jit3A : i32
      %sign3A = arith.constant 0 : i32
      %sign3A_79 = arith.cmpi sgt, %add3A_78, %sign3A : i32
      %sign3A_80 = arith.extui %sign3A_79 : i1 to i32
      %sign3A_81 = arith.constant 0 : i32
      %sign3A_82 = arith.cmpi slt, %add3A_78, %sign3A_81 : i32
      %sign3A_83 = arith.extui %sign3A_82 : i1 to i32
      %sign3A_84 = arith.subi %sign3A_80, %sign3A_83 : i32
      %sign3A_85 = arith.constant 0 : i32
      %sign3A_86 = arith.cmpi sgt, %jit3A, %sign3A_85 : i32
      %sign3A_87 = arith.extui %sign3A_86 : i1 to i32
      %sign3A_88 = arith.constant 0 : i32
      %sign3A_89 = arith.cmpi slt, %jit3A, %sign3A_88 : i32
      %sign3A_90 = arith.extui %sign3A_89 : i1 to i32
      %sign3A_91 = arith.subi %sign3A_87, %sign3A_90 : i32
      %ne3A = arith.cmpi ne, %sign3A_84, %sign3A_91 : i32
      %rem3A = arith.remsi %add3A_78, %jit3A : i32
      %ne3A_92 = arith.constant 0 : i32
      %ne3A_93 = arith.cmpi ne, %rem3A, %ne3A_92 : i32
      %and3A = arith.andi %ne3A, %ne3A_93 : i1
      %sub3A = arith.constant 1 : i32
      %sub3A_94 = arith.subi %div3A, %sub3A : i32
      %select_n3A = arith.select %and3A, %sub3A_94, %div3A : i32
      %jit3A_95 = arith.constant 16 : i32
      %eq3A = arith.constant 0 : i32
      %eq3A_96 = arith.cmpi eq, %jit3A_95, %eq3A : i32
      %jit3A_97 = arith.constant 1 : i32
      %select_n3A_98 = arith.select %eq3A_96, %jit3A_97, %jit3A_95 : i32
      %rem3A_99 = arith.remsi %add3A_78, %select_n3A_98 : i32
      %ne3A_100 = arith.constant 0 : i32
      %ne3A_101 = arith.cmpi ne, %rem3A_99, %ne3A_100 : i32
      %lt3A = arith.constant 0 : i32
      %lt3A_102 = arith.cmpi slt, %rem3A_99, %lt3A : i32
      %lt3A_103 = arith.constant 0 : i32
      %lt3A_104 = arith.cmpi slt, %select_n3A_98, %lt3A_103 : i32
      %ne3A_105 = arith.xori %lt3A_102, %lt3A_104 : i1
      %and3A_106 = arith.andi %ne3A_105, %ne3A_101 : i1
      %add3A_107 = arith.addi %rem3A_99, %select_n3A_98 : i32
      %select_n3A_108 = arith.select %and3A_106, %add3A_107, %rem3A_99 : i32
      %lt3A_109 = arith.constant 48 : i32
      %lt3A_110 = arith.cmpi slt, %add3A_78, %lt3A_109 : i32
      %convert_element_type3A = arith.extui %lt3A_110 : i1 to i32
      %cond3A = arith.constant 0 : i32
      %cond3A_111 = arith.cmpi ne, %convert_element_type3A, %cond3A : i32
      scf.if %cond3A_111 {
        %mul3A_224 = arith.constant 32 : i32
        %mul3A_225 = arith.muli %select_n3A_108, %mul3A_224 : i32
        %dma_start3A_226 = arith.constant 0 : i32
        %dma_start3A_227 = tpu.memref_slice %arg2[%add3A, %select_n3A, %mul3A_225, %dma_start3A_226] : memref<32x3x512x512xf32, #tpu.memory_space<hbm>> -> memref<1x1x32x512xf32, #tpu.memory_space<hbm>>
        %dma_start3A_228 = tpu.memref_squeeze %dma_start3A_227 : memref<1x1x32x512xf32, #tpu.memory_space<hbm>> -> memref<32x512xf32, #tpu.memory_space<hbm>>
        %dma_start3A_229 = arith.constant 0 : i32
        %dma_start3A_230 = tpu.memref_slice %arg2[%add3A, %select_n3A, %mul3A_225, %dma_start3A_229] : memref<32x3x512x512xf32, #tpu.memory_space<hbm>> -> memref<1x1x32x512xf32, #tpu.memory_space<hbm>>
        %dma_start3A_231 = tpu.memref_squeeze %dma_start3A_230 : memref<1x1x32x512xf32, #tpu.memory_space<hbm>> -> memref<32x512xf32, #tpu.memory_space<hbm>>
        tpu.enqueue_dma source(%dma_start3A_231 : memref<32x512xf32, #tpu.memory_space<hbm>>) target(%arg9 : memref<32x512xf32, #tpu.memory_space<vmem>>) target_semaphore(%arg13 : memref<!tpu.dma_semaphore, #tpu.memory_space<semaphore_mem>>)
      } else {
      }
      %mul3A_112 = arith.constant 32 : i32
      %mul3A_113 = arith.muli %mul3A_74, %mul3A_112 : i32
      %dma_wait3A_114 = arith.constant 2 : i32
      %dma_wait3A_115 = arith.constant 0 : i32
      %dma_wait3A_116 = tpu.memref_slice %arg2[%add3A, %dma_wait3A_114, %mul3A_113, %dma_wait3A_115] : memref<32x3x512x512xf32, #tpu.memory_space<hbm>> -> memref<1x1x32x512xf32, #tpu.memory_space<hbm>>
      %dma_wait3A_117 = tpu.memref_squeeze %dma_wait3A_116 : memref<1x1x32x512xf32, #tpu.memory_space<hbm>> -> memref<32x512xf32, #tpu.memory_space<hbm>>
      %dma_wait3A_118 = arith.constant 0 : i32
      %dma_wait3A_119 = tpu.memref_slice %arg2[%add3A, %dma_wait3A_114, %mul3A_113, %dma_wait3A_118] : memref<32x3x512x512xf32, #tpu.memory_space<hbm>> -> memref<1x1x32x512xf32, #tpu.memory_space<hbm>>
      %dma_wait3A_120 = tpu.memref_squeeze %dma_wait3A_119 : memref<1x1x32x512xf32, #tpu.memory_space<hbm>> -> memref<32x512xf32, #tpu.memory_space<hbm>>
      tpu.wait_dma2 semaphore(%arg12 : memref<!tpu.dma_semaphore, #tpu.memory_space<semaphore_mem>>) src(%dma_wait3A_120 : memref<32x512xf32, #tpu.memory_space<hbm>>) dst(%arg8 : memref<32x512xf32, #tpu.memory_space<vmem>>)
      %add3A_121 = arith.constant 32 : i32
      %add3A_122 = arith.addi %add3A_121, %mul3A_74 : i32
      %sub3A_123 = arith.constant 2 : i32
      %sub3A_124 = arith.subi %add3A_122, %sub3A_123 : i32
      %ge3A = arith.constant 0 : i32
      %ge3A_125 = arith.cmpi sge, %sub3A_124, %ge3A : i32
      %convert_element_type3A_126 = arith.extui %ge3A_125 : i1 to i32
      %cond3A_127 = arith.constant 0 : i32
      %cond3A_128 = arith.cmpi ne, %convert_element_type3A_126, %cond3A_127 : i32
      scf.if %cond3A_128 {
        %jit3A_224 = arith.constant 16 : i32
        %div3A_225 = arith.divsi %sub3A_124, %jit3A_224 : i32
        %sign3A_226 = arith.constant 0 : i32
        %sign3A_227 = arith.cmpi sgt, %sub3A_124, %sign3A_226 : i32
        %sign3A_228 = arith.extui %sign3A_227 : i1 to i32
        %sign3A_229 = arith.constant 0 : i32
        %sign3A_230 = arith.cmpi slt, %sub3A_124, %sign3A_229 : i32
        %sign3A_231 = arith.extui %sign3A_230 : i1 to i32
        %sign3A_232 = arith.subi %sign3A_228, %sign3A_231 : i32
        %sign3A_233 = arith.constant 0 : i32
        %sign3A_234 = arith.cmpi sgt, %jit3A_224, %sign3A_233 : i32
        %sign3A_235 = arith.extui %sign3A_234 : i1 to i32
        %sign3A_236 = arith.constant 0 : i32
        %sign3A_237 = arith.cmpi slt, %jit3A_224, %sign3A_236 : i32
        %sign3A_238 = arith.extui %sign3A_237 : i1 to i32
        %sign3A_239 = arith.subi %sign3A_235, %sign3A_238 : i32
        %ne3A_240 = arith.cmpi ne, %sign3A_232, %sign3A_239 : i32
        %rem3A_241 = arith.remsi %sub3A_124, %jit3A_224 : i32
        %ne3A_242 = arith.constant 0 : i32
        %ne3A_243 = arith.cmpi ne, %rem3A_241, %ne3A_242 : i32
        %and3A_244 = arith.andi %ne3A_240, %ne3A_243 : i1
        %sub3A_245 = arith.constant 1 : i32
        %sub3A_246 = arith.subi %div3A_225, %sub3A_245 : i32
        %select_n3A_247 = arith.select %and3A_244, %sub3A_246, %div3A_225 : i32
        %jit3A_248 = arith.constant 16 : i32
        %eq3A_249 = arith.constant 0 : i32
        %eq3A_250 = arith.cmpi eq, %jit3A_248, %eq3A_249 : i32
        %jit3A_251 = arith.constant 1 : i32
        %select_n3A_252 = arith.select %eq3A_250, %jit3A_251, %jit3A_248 : i32
        %rem3A_253 = arith.remsi %sub3A_124, %select_n3A_252 : i32
        %ne3A_254 = arith.constant 0 : i32
        %ne3A_255 = arith.cmpi ne, %rem3A_253, %ne3A_254 : i32
        %lt3A_256 = arith.constant 0 : i32
        %lt3A_257 = arith.cmpi slt, %rem3A_253, %lt3A_256 : i32
        %lt3A_258 = arith.constant 0 : i32
        %lt3A_259 = arith.cmpi slt, %select_n3A_252, %lt3A_258 : i32
        %ne3A_260 = arith.xori %lt3A_257, %lt3A_259 : i1
        %and3A_261 = arith.andi %ne3A_260, %ne3A_255 : i1
        %add3A_262 = arith.addi %rem3A_253, %select_n3A_252 : i32
        %select_n3A_263 = arith.select %and3A_261, %add3A_262, %rem3A_253 : i32
        %mul3A_264 = arith.constant 32 : i32
        %mul3A_265 = arith.muli %select_n3A_263, %mul3A_264 : i32
        %dma_wait3A_266 = arith.constant 0 : i32
        %dma_wait3A_267 = tpu.memref_slice %arg5[%add3A, %select_n3A_247, %mul3A_265, %dma_wait3A_266] : memref<32x3x512x512xf32, #tpu.memory_space<hbm>> -> memref<1x1x32x512xf32, #tpu.memory_space<hbm>>
        %dma_wait3A_268 = tpu.memref_squeeze %dma_wait3A_267 : memref<1x1x32x512xf32, #tpu.memory_space<hbm>> -> memref<32x512xf32, #tpu.memory_space<hbm>>
        %dma_wait3A_269 = arith.constant 0 : i32
        %dma_wait3A_270 = tpu.memref_slice %arg5[%add3A, %select_n3A_247, %mul3A_265, %dma_wait3A_269] : memref<32x3x512x512xf32, #tpu.memory_space<hbm>> -> memref<1x1x32x512xf32, #tpu.memory_space<hbm>>
        %dma_wait3A_271 = tpu.memref_squeeze %dma_wait3A_270 : memref<1x1x32x512xf32, #tpu.memory_space<hbm>> -> memref<32x512xf32, #tpu.memory_space<hbm>>
        tpu.wait_dma2 semaphore(%arg14 : memref<!tpu.dma_semaphore, #tpu.memory_space<semaphore_mem>>) src(%arg10 : memref<32x512xf32, #tpu.memory_space<vmem>>) dst(%dma_wait3A_271 : memref<32x512xf32, #tpu.memory_space<hbm>>)
      } else {
      }
      %parallel_loop3A = arith.constant 0 : i32
      %parallel_loop3A_129 = arith.constant 16384 : i32
      %parallel_loop3A_130 = arith.constant 16 : i32
      scf.for %parallel_loop3A_224 = %parallel_loop3A to %parallel_loop3A_129 step %parallel_loop3A_130  : i32 {
        %parallel_loop3A_225 = arith.constant 9 : i32
        %parallel_loop3A_226 = arith.shrui %parallel_loop3A_224, %parallel_loop3A_225 : i32
        %parallel_loop3A_227 = arith.constant 511 : i32
        %parallel_loop3A_228 = arith.andi %parallel_loop3A_224, %parallel_loop3A_227 : i32
        %parallel_loop3A_229 = tpu.assume_multiple %parallel_loop3A_228, 16 : i32
        %parallel_loop3A_230 = arith.index_cast %parallel_loop3A_226 : i32 to index
        %parallel_loop3A_231 = arith.index_cast %parallel_loop3A_229 : i32 to index
        %parallel_loop3A_232 = tpu.vector_load %arg8[%parallel_loop3A_230, %parallel_loop3A_231] {strides = array<i32>} : memref<32x512xf32, #tpu.memory_space<vmem>>, vector<1x16xf32>,
        %parallel_loop3A_233 = vector.shape_cast %parallel_loop3A_232 : vector<1x16xf32> to vector<16xf32>
        %parallel_loop3A_234 = arith.constant 1.600000e+01 : f32
        %parallel_loop3A_235 = vector.broadcast %parallel_loop3A_234 : f32 to vector<16xf32>
        %parallel_loop3A_236 = arith.mulf %parallel_loop3A_233, %parallel_loop3A_235 : vector<16xf32>
        %parallel_loop3A_237 = arith.fptosi %parallel_loop3A_236 : vector<16xf32> to vector<16xi32>
        %parallel_loop3A_238 = vector.shape_cast %parallel_loop3A_237 : vector<16xi32> to vector<16x1xi32>
        %parallel_loop3A_239 = vector.shape_cast %parallel_loop3A_238 : vector<16x1xi32> to vector<16xi32>
        %parallel_loop3A_240 = tpu.dynamic_gather %get3A_43[%parallel_loop3A_239] in [0] : vector<16xf32>, vector<16xi32> -> vector<16xf32>
        %parallel_loop3A_241 = vector.shape_cast %parallel_loop3A_237 : vector<16xi32> to vector<16x1xi32>
        %parallel_loop3A_242 = vector.shape_cast %parallel_loop3A_241 : vector<16x1xi32> to vector<16xi32>
        %parallel_loop3A_243 = tpu.dynamic_gather %get3A_46[%parallel_loop3A_242] in [0] : vector<16xf32>, vector<16xi32> -> vector<16xf32>
        %parallel_loop3A_244 = arith.mulf %parallel_loop3A_243, %parallel_loop3A_233 : vector<16xf32>
        %parallel_loop3A_245 = arith.addf %parallel_loop3A_240, %parallel_loop3A_244 : vector<16xf32>
        %parallel_loop3A_246 = arith.index_cast %parallel_loop3A_226 : i32 to index
        %parallel_loop3A_247 = arith.index_cast %parallel_loop3A_229 : i32 to index
        %parallel_loop3A_248 = tpu.vector_load %arg10[%parallel_loop3A_246, %parallel_loop3A_247] {strides = array<i32>} : memref<32x512xf32, #tpu.memory_space<vmem>>, vector<1x16xf32>,
        %parallel_loop3A_249 = vector.shape_cast %parallel_loop3A_248 : vector<1x16xf32> to vector<16xf32>
        %parallel_loop3A_250 = vector.shape_cast %parallel_loop3A_245 : vector<16xf32> to vector<1x16xf32>
        tpu.vector_store %arg10[%parallel_loop3A_246, %parallel_loop3A_247], %parallel_loop3A_250 {strides = array<i32>} : memref<32x512xf32, #tpu.memory_space<vmem>>, vector<1x16xf32>,
      } {sc.loop_unroll_factor = 8 : i64, sc.parallel_access}
      %mul3A_131 = arith.constant 32 : i32
      %mul3A_132 = arith.muli %mul3A_74, %mul3A_131 : i32
      %dma_start3A_133 = arith.constant 2 : i32
      %dma_start3A_134 = arith.constant 0 : i32
      %dma_start3A_135 = tpu.memref_slice %arg5[%add3A, %dma_start3A_133, %mul3A_132, %dma_start3A_134] : memref<32x3x512x512xf32, #tpu.memory_space<hbm>> -> memref<1x1x32x512xf32, #tpu.memory_space<hbm>>
      %dma_start3A_136 = tpu.memref_squeeze %dma_start3A_135 : memref<1x1x32x512xf32, #tpu.memory_space<hbm>> -> memref<32x512xf32, #tpu.memory_space<hbm>>
      %dma_start3A_137 = arith.constant 0 : i32
      %dma_start3A_138 = tpu.memref_slice %arg5[%add3A, %dma_start3A_133, %mul3A_132, %dma_start3A_137] : memref<32x3x512x512xf32, #tpu.memory_space<hbm>> -> memref<1x1x32x512xf32, #tpu.memory_space<hbm>>
      %dma_start3A_139 = tpu.memref_squeeze %dma_start3A_138 : memref<1x1x32x512xf32, #tpu.memory_space<hbm>> -> memref<32x512xf32, #tpu.memory_space<hbm>>
      tpu.enqueue_dma source(%arg10 : memref<32x512xf32, #tpu.memory_space<vmem>>) target(%dma_start3A_139 : memref<32x512xf32, #tpu.memory_space<hbm>>) target_semaphore(%arg14 : memref<!tpu.dma_semaphore, #tpu.memory_space<semaphore_mem>>)
      %mul3A_140 = arith.constant 2 : i32
      %mul3A_141 = arith.muli %scan3A_71, %mul3A_140 : i32
      %add3A_142 = arith.constant 1 : i32
      %add3A_143 = arith.addi %mul3A_141, %add3A_142 : i32
      %add3A_144 = arith.constant 32 : i32
      %add3A_145 = arith.addi %add3A_144, %add3A_143 : i32
      %add3A_146 = arith.constant 1 : i32
      %add3A_147 = arith.addi %add3A_145, %add3A_146 : i32
      %jit3A_148 = arith.constant 16 : i32
      %div3A_149 = arith.divsi %add3A_147, %jit3A_148 : i32
      %sign3A_150 = arith.constant 0 : i32
      %sign3A_151 = arith.cmpi sgt, %add3A_147, %sign3A_150 : i32
      %sign3A_152 = arith.extui %sign3A_151 : i1 to i32
      %sign3A_153 = arith.constant 0 : i32
      %sign3A_154 = arith.cmpi slt, %add3A_147, %sign3A_153 : i32
      %sign3A_155 = arith.extui %sign3A_154 : i1 to i32
      %sign3A_156 = arith.subi %sign3A_152, %sign3A_155 : i32
      %sign3A_157 = arith.constant 0 : i32
      %sign3A_158 = arith.cmpi sgt, %jit3A_148, %sign3A_157 : i32
      %sign3A_159 = arith.extui %sign3A_158 : i1 to i32
      %sign3A_160 = arith.constant 0 : i32
      %sign3A_161 = arith.cmpi slt, %jit3A_148, %sign3A_160 : i32
      %sign3A_162 = arith.extui %sign3A_161 : i1 to i32
      %sign3A_163 = arith.subi %sign3A_159, %sign3A_162 : i32
      %ne3A_164 = arith.cmpi ne, %sign3A_156, %sign3A_163 : i32
      %rem3A_165 = arith.remsi %add3A_147, %jit3A_148 : i32
      %ne3A_166 = arith.constant 0 : i32
      %ne3A_167 = arith.cmpi ne, %rem3A_165, %ne3A_166 : i32
      %and3A_168 = arith.andi %ne3A_164, %ne3A_167 : i1
      %sub3A_169 = arith.constant 1 : i32
      %sub3A_170 = arith.subi %div3A_149, %sub3A_169 : i32
      %select_n3A_171 = arith.select %and3A_168, %sub3A_170, %div3A_149 : i32
      %jit3A_172 = arith.constant 16 : i32
      %eq3A_173 = arith.constant 0 : i32
      %eq3A_174 = arith.cmpi eq, %jit3A_172, %eq3A_173 : i32
      %jit3A_175 = arith.constant 1 : i32
      %select_n3A_176 = arith.select %eq3A_174, %jit3A_175, %jit3A_172 : i32
      %rem3A_177 = arith.remsi %add3A_147, %select_n3A_176 : i32
      %ne3A_178 = arith.constant 0 : i32
      %ne3A_179 = arith.cmpi ne, %rem3A_177, %ne3A_178 : i32
      %lt3A_180 = arith.constant 0 : i32
      %lt3A_181 = arith.cmpi slt, %rem3A_177, %lt3A_180 : i32
      %lt3A_182 = arith.constant 0 : i32
      %lt3A_183 = arith.cmpi slt, %select_n3A_176, %lt3A_182 : i32
      %ne3A_184 = arith.xori %lt3A_181, %lt3A_183 : i1
      %and3A_185 = arith.andi %ne3A_184, %ne3A_179 : i1
      %add3A_186 = arith.addi %rem3A_177, %select_n3A_176 : i32
      %select_n3A_187 = arith.select %and3A_185, %add3A_186, %rem3A_177 : i32
      %lt3A_188 = arith.constant 48 : i32
      %lt3A_189 = arith.cmpi slt, %add3A_147, %lt3A_188 : i32
      %convert_element_type3A_190 = arith.extui %lt3A_189 : i1 to i32
      %cond3A_191 = arith.constant 0 : i32
      %cond3A_192 = arith.cmpi ne, %convert_element_type3A_190, %cond3A_191 : i32
      scf.if %cond3A_192 {
        %mul3A_224 = arith.constant 32 : i32
        %mul3A_225 = arith.muli %select_n3A_187, %mul3A_224 : i32
        %dma_start3A_226 = arith.constant 0 : i32
        %dma_start3A_227 = tpu.memref_slice %arg2[%add3A, %select_n3A_171, %mul3A_225, %dma_start3A_226] : memref<32x3x512x512xf32, #tpu.memory_space<hbm>> -> memref<1x1x32x512xf32, #tpu.memory_space<hbm>>
        %dma_start3A_228 = tpu.memref_squeeze %dma_start3A_227 : memref<1x1x32x512xf32, #tpu.memory_space<hbm>> -> memref<32x512xf32, #tpu.memory_space<hbm>>
        %dma_start3A_229 = arith.constant 0 : i32
        %dma_start3A_230 = tpu.memref_slice %arg2[%add3A, %select_n3A_171, %mul3A_225, %dma_start3A_229] : memref<32x3x512x512xf32, #tpu.memory_space<hbm>> -> memref<1x1x32x512xf32, #tpu.memory_space<hbm>>
        %dma_start3A_231 = tpu.memref_squeeze %dma_start3A_230 : memref<1x1x32x512xf32, #tpu.memory_space<hbm>> -> memref<32x512xf32, #tpu.memory_space<hbm>>
        tpu.enqueue_dma source(%dma_start3A_231 : memref<32x512xf32, #tpu.memory_space<hbm>>) target(%arg8 : memref<32x512xf32, #tpu.memory_space<vmem>>) target_semaphore(%arg12 : memref<!tpu.dma_semaphore, #tpu.memory_space<semaphore_mem>>)
      } else {
      }
      %mul3A_193 = arith.constant 32 : i32
      %mul3A_194 = arith.muli %add3A_143, %mul3A_193 : i32
      %dma_wait3A_195 = arith.constant 2 : i32
      %dma_wait3A_196 = arith.constant 0 : i32
      %dma_wait3A_197 = tpu.memref_slice %arg2[%add3A, %dma_wait3A_195, %mul3A_194, %dma_wait3A_196] : memref<32x3x512x512xf32, #tpu.memory_space<hbm>> -> memref<1x1x32x512xf32, #tpu.memory_space<hbm>>
      %dma_wait3A_198 = tpu.memref_squeeze %dma_wait3A_197 : memref<1x1x32x512xf32, #tpu.memory_space<hbm>> -> memref<32x512xf32, #tpu.memory_space<hbm>>
      %dma_wait3A_199 = arith.constant 0 : i32
      %dma_wait3A_200 = tpu.memref_slice %arg2[%add3A, %dma_wait3A_195, %mul3A_194, %dma_wait3A_199] : memref<32x3x512x512xf32, #tpu.memory_space<hbm>> -> memref<1x1x32x512xf32, #tpu.memory_space<hbm>>
      %dma_wait3A_201 = tpu.memref_squeeze %dma_wait3A_200 : memref<1x1x32x512xf32, #tpu.memory_space<hbm>> -> memref<32x512xf32, #tpu.memory_space<hbm>>
      tpu.wait_dma2 semaphore(%arg13 : memref<!tpu.dma_semaphore, #tpu.memory_space<semaphore_mem>>) src(%dma_wait3A_201 : memref<32x512xf32, #tpu.memory_space<hbm>>) dst(%arg9 : memref<32x512xf32, #tpu.memory_space<vmem>>)
      %add3A_202 = arith.constant 32 : i32
      %add3A_203 = arith.addi %add3A_202, %add3A_143 : i32
      %sub3A_204 = arith.constant 2 : i32
      %sub3A_205 = arith.subi %add3A_203, %sub3A_204 : i32
      %ge3A_206 = arith.constant 0 : i32
      %ge3A_207 = arith.cmpi sge, %sub3A_205, %ge3A_206 : i32
      %convert_element_type3A_208 = arith.extui %ge3A_207 : i1 to i32
      %cond3A_209 = arith.constant 0 : i32
      %cond3A_210 = arith.cmpi ne, %convert_element_type3A_208, %cond3A_209 : i32
      scf.if %cond3A_210 {
        %jit3A_224 = arith.constant 16 : i32
        %div3A_225 = arith.divsi %sub3A_205, %jit3A_224 : i32
        %sign3A_226 = arith.constant 0 : i32
        %sign3A_227 = arith.cmpi sgt, %sub3A_205, %sign3A_226 : i32
        %sign3A_228 = arith.extui %sign3A_227 : i1 to i32
        %sign3A_229 = arith.constant 0 : i32
        %sign3A_230 = arith.cmpi slt, %sub3A_205, %sign3A_229 : i32
        %sign3A_231 = arith.extui %sign3A_230 : i1 to i32
        %sign3A_232 = arith.subi %sign3A_228, %sign3A_231 : i32
        %sign3A_233 = arith.constant 0 : i32
        %sign3A_234 = arith.cmpi sgt, %jit3A_224, %sign3A_233 : i32
        %sign3A_235 = arith.extui %sign3A_234 : i1 to i32
        %sign3A_236 = arith.constant 0 : i32
        %sign3A_237 = arith.cmpi slt, %jit3A_224, %sign3A_236 : i32
        %sign3A_238 = arith.extui %sign3A_237 : i1 to i32
        %sign3A_239 = arith.subi %sign3A_235, %sign3A_238 : i32
        %ne3A_240 = arith.cmpi ne, %sign3A_232, %sign3A_239 : i32
        %rem3A_241 = arith.remsi %sub3A_205, %jit3A_224 : i32
        %ne3A_242 = arith.constant 0 : i32
        %ne3A_243 = arith.cmpi ne, %rem3A_241, %ne3A_242 : i32
        %and3A_244 = arith.andi %ne3A_240, %ne3A_243 : i1
        %sub3A_245 = arith.constant 1 : i32
        %sub3A_246 = arith.subi %div3A_225, %sub3A_245 : i32
        %select_n3A_247 = arith.select %and3A_244, %sub3A_246, %div3A_225 : i32
        %jit3A_248 = arith.constant 16 : i32
        %eq3A_249 = arith.constant 0 : i32
        %eq3A_250 = arith.cmpi eq, %jit3A_248, %eq3A_249 : i32
        %jit3A_251 = arith.constant 1 : i32
        %select_n3A_252 = arith.select %eq3A_250, %jit3A_251, %jit3A_248 : i32
        %rem3A_253 = arith.remsi %sub3A_205, %select_n3A_252 : i32
        %ne3A_254 = arith.constant 0 : i32
        %ne3A_255 = arith.cmpi ne, %rem3A_253, %ne3A_254 : i32
        %lt3A_256 = arith.constant 0 : i32
        %lt3A_257 = arith.cmpi slt, %rem3A_253, %lt3A_256 : i32
        %lt3A_258 = arith.constant 0 : i32
        %lt3A_259 = arith.cmpi slt, %select_n3A_252, %lt3A_258 : i32
        %ne3A_260 = arith.xori %lt3A_257, %lt3A_259 : i1
        %and3A_261 = arith.andi %ne3A_260, %ne3A_255 : i1
        %add3A_262 = arith.addi %rem3A_253, %select_n3A_252 : i32
        %select_n3A_263 = arith.select %and3A_261, %add3A_262, %rem3A_253 : i32
        %mul3A_264 = arith.constant 32 : i32
        %mul3A_265 = arith.muli %select_n3A_263, %mul3A_264 : i32
        %dma_wait3A_266 = arith.constant 0 : i32
        %dma_wait3A_267 = tpu.memref_slice %arg5[%add3A, %select_n3A_247, %mul3A_265, %dma_wait3A_266] : memref<32x3x512x512xf32, #tpu.memory_space<hbm>> -> memref<1x1x32x512xf32, #tpu.memory_space<hbm>>
        %dma_wait3A_268 = tpu.memref_squeeze %dma_wait3A_267 : memref<1x1x32x512xf32, #tpu.memory_space<hbm>> -> memref<32x512xf32, #tpu.memory_space<hbm>>
        %dma_wait3A_269 = arith.constant 0 : i32
        %dma_wait3A_270 = tpu.memref_slice %arg5[%add3A, %select_n3A_247, %mul3A_265, %dma_wait3A_269] : memref<32x3x512x512xf32, #tpu.memory_space<hbm>> -> memref<1x1x32x512xf32, #tpu.memory_space<hbm>>
        %dma_wait3A_271 = tpu.memref_squeeze %dma_wait3A_270 : memref<1x1x32x512xf32, #tpu.memory_space<hbm>> -> memref<32x512xf32, #tpu.memory_space<hbm>>
        tpu.wait_dma2 semaphore(%arg15 : memref<!tpu.dma_semaphore, #tpu.memory_space<semaphore_mem>>) src(%arg11 : memref<32x512xf32, #tpu.memory_space<vmem>>) dst(%dma_wait3A_271 : memref<32x512xf32, #tpu.memory_space<hbm>>)
      } else {
      }
      %parallel_loop3A_211 = arith.constant 0 : i32
      %parallel_loop3A_212 = arith.constant 16384 : i32
      %parallel_loop3A_213 = arith.constant 16 : i32
      scf.for %parallel_loop3A_224 = %parallel_loop3A_211 to %parallel_loop3A_212 step %parallel_loop3A_213  : i32 {
        %parallel_loop3A_225 = arith.constant 9 : i32
        %parallel_loop3A_226 = arith.shrui %parallel_loop3A_224, %parallel_loop3A_225 : i32
        %parallel_loop3A_227 = arith.constant 511 : i32
        %parallel_loop3A_228 = arith.andi %parallel_loop3A_224, %parallel_loop3A_227 : i32
        %parallel_loop3A_229 = tpu.assume_multiple %parallel_loop3A_228, 16 : i32
        %parallel_loop3A_230 = arith.index_cast %parallel_loop3A_226 : i32 to index
        %parallel_loop3A_231 = arith.index_cast %parallel_loop3A_229 : i32 to index
        %parallel_loop3A_232 = tpu.vector_load %arg9[%parallel_loop3A_230, %parallel_loop3A_231] {strides = array<i32>} : memref<32x512xf32, #tpu.memory_space<vmem>>, vector<1x16xf32>,
        %parallel_loop3A_233 = vector.shape_cast %parallel_loop3A_232 : vector<1x16xf32> to vector<16xf32>
        %parallel_loop3A_234 = arith.constant 1.600000e+01 : f32
        %parallel_loop3A_235 = vector.broadcast %parallel_loop3A_234 : f32 to vector<16xf32>
        %parallel_loop3A_236 = arith.mulf %parallel_loop3A_233, %parallel_loop3A_235 : vector<16xf32>
        %parallel_loop3A_237 = arith.fptosi %parallel_loop3A_236 : vector<16xf32> to vector<16xi32>
        %parallel_loop3A_238 = vector.shape_cast %parallel_loop3A_237 : vector<16xi32> to vector<16x1xi32>
        %parallel_loop3A_239 = vector.shape_cast %parallel_loop3A_238 : vector<16x1xi32> to vector<16xi32>
        %parallel_loop3A_240 = tpu.dynamic_gather %get3A_43[%parallel_loop3A_239] in [0] : vector<16xf32>, vector<16xi32> -> vector<16xf32>
        %parallel_loop3A_241 = vector.shape_cast %parallel_loop3A_237 : vector<16xi32> to vector<16x1xi32>
        %parallel_loop3A_242 = vector.shape_cast %parallel_loop3A_241 : vector<16x1xi32> to vector<16xi32>
        %parallel_loop3A_243 = tpu.dynamic_gather %get3A_46[%parallel_loop3A_242] in [0] : vector<16xf32>, vector<16xi32> -> vector<16xf32>
        %parallel_loop3A_244 = arith.mulf %parallel_loop3A_243, %parallel_loop3A_233 : vector<16xf32>
        %parallel_loop3A_245 = arith.addf %parallel_loop3A_240, %parallel_loop3A_244 : vector<16xf32>
        %parallel_loop3A_246 = arith.index_cast %parallel_loop3A_226 : i32 to index
        %parallel_loop3A_247 = arith.index_cast %parallel_loop3A_229 : i32 to index
        %parallel_loop3A_248 = tpu.vector_load %arg11[%parallel_loop3A_246, %parallel_loop3A_247] {strides = array<i32>} : memref<32x512xf32, #tpu.memory_space<vmem>>, vector<1x16xf32>,
        %parallel_loop3A_249 = vector.shape_cast %parallel_loop3A_248 : vector<1x16xf32> to vector<16xf32>
        %parallel_loop3A_250 = vector.shape_cast %parallel_loop3A_245 : vector<16xf32> to vector<1x16xf32>
        tpu.vector_store %arg11[%parallel_loop3A_246, %parallel_loop3A_247], %parallel_loop3A_250 {strides = array<i32>} : memref<32x512xf32, #tpu.memory_space<vmem>>, vector<1x16xf32>,
      } {sc.loop_unroll_factor = 8 : i64, sc.parallel_access}
      %mul3A_214 = arith.constant 32 : i32
      %mul3A_215 = arith.muli %add3A_143, %mul3A_214 : i32
      %dma_start3A_216 = arith.constant 2 : i32
      %dma_start3A_217 = arith.constant 0 : i32
      %dma_start3A_218 = tpu.memref_slice %arg5[%add3A, %dma_start3A_216, %mul3A_215, %dma_start3A_217] : memref<32x3x512x512xf32, #tpu.memory_space<hbm>> -> memref<1x1x32x512xf32, #tpu.memory_space<hbm>>
      %dma_start3A_219 = tpu.memref_squeeze %dma_start3A_218 : memref<1x1x32x512xf32, #tpu.memory_space<hbm>> -> memref<32x512xf32, #tpu.memory_space<hbm>>
      %dma_start3A_220 = arith.constant 0 : i32
      %dma_start3A_221 = tpu.memref_slice %arg5[%add3A, %dma_start3A_216, %mul3A_215, %dma_start3A_220] : memref<32x3x512x512xf32, #tpu.memory_space<hbm>> -> memref<1x1x32x512xf32, #tpu.memory_space<hbm>>
      %dma_start3A_222 = tpu.memref_squeeze %dma_start3A_221 : memref<1x1x32x512xf32, #tpu.memory_space<hbm>> -> memref<32x512xf32, #tpu.memory_space<hbm>>
      tpu.enqueue_dma source(%arg11 : memref<32x512xf32, #tpu.memory_space<vmem>>) target(%dma_start3A_222 : memref<32x512xf32, #tpu.memory_space<hbm>>) target_semaphore(%arg15 : memref<!tpu.dma_semaphore, #tpu.memory_space<semaphore_mem>>)
      %scan3A_223 = arith.constant 0 : i32
      scf.yield %scan3A_223 : i32
    }
    %scan3A_53 = arith.constant 8 : i32
    %dma_wait3A = arith.constant 2 : i32
    %dma_wait3A_54 = arith.constant 448 : i32
    %dma_wait3A_55 = arith.constant 0 : i32
    %dma_wait3A_56 = tpu.memref_slice %arg5[%add3A, %dma_wait3A, %dma_wait3A_54, %dma_wait3A_55] : memref<32x3x512x512xf32, #tpu.memory_space<hbm>> -> memref<1x1x32x512xf32, #tpu.memory_space<hbm>>
    %dma_wait3A_57 = tpu.memref_squeeze %dma_wait3A_56 : memref<1x1x32x512xf32, #tpu.memory_space<hbm>> -> memref<32x512xf32, #tpu.memory_space<hbm>>
    %dma_wait3A_58 = arith.constant 448 : i32
    %dma_wait3A_59 = arith.constant 0 : i32
    %dma_wait3A_60 = tpu.memref_slice %arg5[%add3A, %dma_wait3A, %dma_wait3A_58, %dma_wait3A_59] : memref<32x3x512x512xf32, #tpu.memory_space<hbm>> -> memref<1x1x32x512xf32, #tpu.memory_space<hbm>>
    %dma_wait3A_61 = tpu.memref_squeeze %dma_wait3A_60 : memref<1x1x32x512xf32, #tpu.memory_space<hbm>> -> memref<32x512xf32, #tpu.memory_space<hbm>>
    tpu.wait_dma2 semaphore(%arg14 : memref<!tpu.dma_semaphore, #tpu.memory_space<semaphore_mem>>) src(%arg10 : memref<32x512xf32, #tpu.memory_space<vmem>>) dst(%dma_wait3A_61 : memref<32x512xf32, #tpu.memory_space<hbm>>)
    %dma_wait3A_62 = arith.constant 2 : i32
    %dma_wait3A_63 = arith.constant 480 : i32
    %dma_wait3A_64 = arith.constant 0 : i32
    %dma_wait3A_65 = tpu.memref_slice %arg5[%add3A, %dma_wait3A_62, %dma_wait3A_63, %dma_wait3A_64] : memref<32x3x512x512xf32, #tpu.memory_space<hbm>> -> memref<1x1x32x512xf32, #tpu.memory_space<hbm>>
    %dma_wait3A_66 = tpu.memref_squeeze %dma_wait3A_65 : memref<1x1x32x512xf32, #tpu.memory_space<hbm>> -> memref<32x512xf32, #tpu.memory_space<hbm>>
    %dma_wait3A_67 = arith.constant 480 : i32
    %dma_wait3A_68 = arith.constant 0 : i32
    %dma_wait3A_69 = tpu.memref_slice %arg5[%add3A, %dma_wait3A_62, %dma_wait3A_67, %dma_wait3A_68] : memref<32x3x512x512xf32, #tpu.memory_space<hbm>> -> memref<1x1x32x512xf32, #tpu.memory_space<hbm>>
    %dma_wait3A_70 = tpu.memref_squeeze %dma_wait3A_69 : memref<1x1x32x512xf32, #tpu.memory_space<hbm>> -> memref<32x512xf32, #tpu.memory_space<hbm>>
    tpu.wait_dma2 semaphore(%arg15 : memref<!tpu.dma_semaphore, #tpu.memory_space<semaphore_mem>>) src(%arg11 : memref<32x512xf32, #tpu.memory_space<vmem>>) dst(%dma_wait3A_70 : memref<32x512xf32, #tpu.memory_space<hbm>>)
    return
  }
}

</mosaic_0001>

<sc_bundles>
// kernel: kernel.3.cloned.1.call-start
scs
__scs_entry_jumppad:
0x0: {  	(pc) =	sbr.rel $0x88, $3  }
0x1: {  	(tag) =	ssettag $0x0;
	lr =	simm.s32 $0x1  }
0x2: {  	[smem:$0x3F9F] =	sst lr;
	_ =	strace $0xD0000000  }
0x3: {  	_ = 	snop  }
0x4: {  	_ = 	snop  }
0x5: {  	_ = 	snop  }
0x6: {  	_ = 	snop  }
0x7: {  	_ = 	snop  }
__scs_overlays_trampoline_lowered:
0x8: {  	[smem:$0x3FAE] =	sst s0  }
0x9: {  	[smem:$0x3FAF] =	sst s1  }
0xa: {  	[smem:$0x3FB0] =	sst s2  }
0xb: {  	[smem:$0x3FB1] =	sst s3  }
0xc: {  	[smem:$0x3FB2] =	sst s4  }
0xd: {  	[smem:$0x3FB3] =	sst s5  }
0xe: {  	[smem:$0x3FB4] =	sst s6  }
0xf: {  	[smem:$0x3FB5] =	sst s7  }
0x10: {  	[smem:$0x3FB6] =	sst s8  }
0x11: {  	[smem:$0x3FB7] =	sst s9;
	s0 =	simm.s32 @!p0 $0x0  }
0x12: {  	s1 =	sld [smem:$0x3F9D];
	s0 =	simm.s32 @p0 $0x1  }
0x13: {  	[smem:$0x3FB8] =	sst s0;
	s0 =	simm.s32 @!p1 $0x0  }
0x14: {  	s2 =	sld [smem:$0x3F9C];
	s0 =	simm.s32 @p1 $0x1  }
0x15: {  	[smem:$0x3FB9] =	sst s0;
	s0 =	simm.s32 @!p2 $0x0  }
0x16: {  	s3 =	sld [smem:$0x3FDB];
	s0 =	simm.s32 @p2 $0x1  }
0x17: {  	s4 =	simm.s32 $0x1BF5;
	[smem:$0x3FBB] =	sst s0  }
0x18: {  	s0 =	sld [smem:$0x3F9E];
	_ =	swait.ge [sflag:s4], $0x0  }
0x19: {  	s7 =	sld [smem:$0x3F9F]  }
0x1a: {  	s8 =	sadd.s32 $0xFFFFE003, lr  }
0x1b: {  	s9 =	sadd.s32 $0xFFFFFEF7, lr;
	s5 =	simm.s32 $0xFFFFFFFF;
	p2 =	slt.u32 s8, $0xFFFFF086  }
0x1c: {  	p1 =	slt.u32 s9, $0xF7A;
	s5 =	simm.s32 @!p2 $0x0  }
0x1d: {  	s5 =	simm.s32 @p1 $0x1;
	p0 =	seq.s32 s7, s2  }
0x1e: {  	s7 =	smul.u32 @!p0 $0xF7A, s2;
	p2 =	seq.s32 @!p0 s5, $0x0  }
0x1f: {  	s9 =	smul.u32 $0xF7A, s1;
	s8 =	simm.s32 @!p0 $0x1BF5;
	p2 =	por !p2, p0  }
0x20: {  	[sflag:s8] =	ssyncset.s32 @!p0 $0xFFFFF086;
	s6 =	sadd.s32 @!p0 s3, s7;
	s7 =	simm.s32 @!p0 $0x108  }
0x21: {  	s3 =	sadd.s32 s3, s9;
	s6 =	sadd.s32 @!p0 $0x88, s6;
	s7 =	simm.s32 @p2 $0x1082  }
0x22: {  	[simem:s7], [sflag:s8] =	dma.local @!p0 [hbm:s6], $0xF7A  }
0x23: {  	s9 =	sor.u32 $0xD0000000, s2;
	s6 =	simm.s32 $0x108;
	_ =	swait.ge @!p0 [sflag:s8], $0x0  }
0x24: {  	s3 =	sadd.s32 $0x88, s3;
	s6 =	simm.s32 @!p1 $0x1082;
	[sflag:s4] =	ssyncset.s32 $0xFFFFF086  }
0x25: {  	[simem:s6], [sflag:s4] =	dma.local [hbm:s3], $0xF7A  }
0x26: {  	[smem:$0x3F9F] =	sst s1;
	(tag) =	ssettag s2;
	_ =	strace s9  }
0x27: {  	s1 =	sld [smem:$0x3FAF]  }
0x28: {  	s2 =	sld [smem:$0x3FB0]  }
0x29: {  	s4 =	sld [smem:$0x3FB2]  }
0x2a: {  	p0 =	seq.s32 s5, $0x0;
	s5 =	sld [smem:$0x3FB3]  }
0x2b: {  	s6 =	sld [smem:$0x3FB4]  }
0x2c: {  	s7 =	sld [smem:$0x3FB5]  }
0x2d: {  	s3 =	simm.s32 $0x108;
	s8 =	sld [smem:$0x3FB6]  }
0x2e: {  	s3 =	simm.s32 @!p0 $0x1082;
	s9 =	sld [smem:$0x3FB7]  }
0x2f: {  	lr =	sadd.s32 s0, s3;
	s0 =	sld [smem:$0x3FAE]  }
0x30: {  	s3 =	sld [smem:$0x3FB1]  }
0x31: {  	[smem:$0x3FBA] =	sst s10  }
0x32: {  	s10 =	sld [smem:$0x3FB8];
	_ =	sdelay $0x3  }
0x33: {  	p0 =	seq.s32 s10, $0x1;
	s10 =	sld [smem:$0x3FBA];
	_ =	sdelay $0x3  }
0x34: {  	[smem:$0x3FBA] =	sst s10  }
0x35: {  	s10 =	sld [smem:$0x3FB9];
	_ =	sdelay $0x3  }
0x36: {  	p1 =	seq.s32 s10, $0x1;
	s10 =	sld [smem:$0x3FBA];
	_ =	sdelay $0x3  }
0x37: {  	[smem:$0x3FBA] =	sst s10  }
0x38: {  	s10 =	sld [smem:$0x3FBB]  }
0x39: {  	_ = 	snop;
	(pc) =	sbr.ind lr, $3  }
0x3a: {  	_ = 	snop  }
0x3b: {  	_ = 	snop  }
0x3c: {  	p2 =	seq.s32 s10, $0x1;
	s10 =	sld [smem:$0x3FBA]  }
0x3d: {  	_ =	shalt  }
0x3e: {  	_ =	shalt  }
0x3f: {  	_ =	shalt  }
0x40: {  	_ =	shalt  }
0x41: {  	_ =	shalt  }
0x42: {  	_ =	shalt  }
0x43: {  	_ =	shalt  }
0x44: {  	_ =	shalt  }
0x45: {  	_ =	shalt  }
0x46: {  	_ =	shalt  }
0x47: {  	_ =	shalt  }
0x48: {  	_ =	shalt  }
0x49: {  	_ =	shalt  }
0x4a: {  	_ =	shalt  }
0x4b: {  	_ =	shalt  }
0x4c: {  	_ =	shalt  }
0x4d: {  	_ =	shalt  }
0x4e: {  	_ =	shalt  }
0x4f: {  	_ =	shalt  }
0x50: {  	_ =	shalt  }
0x51: {  	_ =	shalt  }
0x52: {  	_ =	shalt  }
0x53: {  	_ =	shalt  }
0x54: {  	_ =	shalt  }
0x55: {  	_ =	shalt  }
0x56: {  	_ =	shalt  }
0x57: {  	_ =	shalt  }
0x58: {  	_ =	shalt  }
0x59: {  	_ =	shalt  }
0x5a: {  	_ =	shalt  }
0x5b: {  	_ =	shalt  }
0x5c: {  	_ =	shalt  }
0x5d: {  	_ =	shalt  }
0x5e: {  	_ =	shalt  }
0x5f: {  	_ =	shalt  }
0x60: {  	_ =	shalt  }
0x61: {  	_ =	shalt  }
0x62: {  	_ =	shalt  }
0x63: {  	_ =	shalt  }
0x64: {  	_ =	shalt  }
0x65: {  	_ =	shalt  }
0x66: {  	_ =	shalt  }
0x67: {  	_ =	shalt  }
0x68: {  	_ =	shalt  }
0x69: {  	_ =	shalt  }
0x6a: {  	_ =	shalt  }
0x6b: {  	_ =	shalt  }
0x6c: {  	_ =	shalt  }
0x6d: {  	_ =	shalt  }
0x6e: {  	_ =	shalt  }
0x6f: {  	_ =	shalt  }
0x70: {  	_ =	shalt  }
0x71: {  	_ =	shalt  }
0x72: {  	_ =	shalt  }
0x73: {  	_ =	shalt  }
0x74: {  	_ =	shalt  }
0x75: {  	_ =	shalt  }
0x76: {  	_ =	shalt  }
0x77: {  	_ =	shalt  }
0x78: {  	_ =	shalt  }
0x79: {  	_ =	shalt  }
0x7a: {  	_ =	shalt  }
0x7b: {  	_ =	shalt  }
0x7c: {  	_ =	shalt  }
0x7d: {  	_ =	shalt  }
0x7e: {  	_ =	shalt  }
0x7f: {  	_ =	shalt  }
0x80: {  	_ =	shalt  }
0x81: {  	_ =	shalt  }
0x82: {  	_ =	shalt  }
0x83: {  	_ =	shalt  }
0x84: {  	_ =	shalt  }
0x85: {  	_ =	shalt  }
0x86: {  	_ =	shalt  }
0x87: {  	_ =	shalt  }
.Lfunc_end0:
.L_simem_size_0:
called_computation_lowered:
.L_overlay_start_0:
0x88: {  	s2 =	sld [smem:$0x3FD9]  }
0x89: {  	s3 =	sld [smem:$0x3FFE];
	_ =	sdelay $0x1  }
0x8a: {  	s1 =	srdreg.scid  }
0x8b: {  	s0 =	sand.u32 $0x1, s1  }
0x8c: {  	s17 =	sshll.u32 s0, $0xA;
	s2 =	sadd.s32 s3, s2  }
0x8d: {  	s2 =	sadd.s32 s2, s17  }
0x8e: {  	[smem:$0x3FC6] =	sst s2  }
0x8f: {  	_ = 	snop  }
0x90: {  	s2 =	sld [smem:$0x3FC9]  }
0x91: {  	s18 =	sld [smem:$0x3FD0];
	(tm) =	ssettm $0x1  }
0x92: {  	s4 =	sld [smem:$0x3FFB];
	_ =	sdelay $0x3  }
0x93: {  	_ =	strace s4  }
0x94: {  	s4 =	sld [smem:$0x3FFC];
	_ =	sdelay $0x3  }
0x95: {  	_ =	strace s4  }
0x96: {  	s4 =	sld [smem:$0x3FFD];
	_ =	sdelay $0x3  }
0x97: {  	_ =	strace s4  }
0x98: {  	_ =	strace $0x8FFFFFFF  }
0x99: {  	s19 =	sld [smem:$0x3FDB];
	_ =	sdelay $0x1  }
0x9a: {  	s5 =	simm.s32 $_scs_section_size  }
0x9b: {  	s6 =	simm.s32 $_size__tile_overlayer_lowered;
	s7 =	simm.s32 $_tile_overlayer_lowered  }
0x9c: {  	s22 =	simm.s32 $0x1BFF;
	s21 =	sshll.u32 s7, $0x1;
	s4 =	sadd.s32 s5, s19  }
0x9d: {  	s8 =	simm.s32 $0x0;
	s20 =	sshll.u32 s6, $0x1;
	s6 =	sadd.s32 s21, s4  }
0x9e: {  	[timem:s8], [sflag:s22] =	dma.local [hbm:s6], s20  }
0x9f: {  	_ =	swait.ge [sflag:s22], s20  }
0xa0: {  	s5 =	ssub.s32 $0x0, s20;
	[sflag:s22] =	ssyncset.done $0x0  }
0xa1: {  	[sflag:s22] =	ssyncadd.s32 s5;
	_ =	sdelay $0x1  }
0xa2: {  	s23 =	simm.s32 $0x1B8B  }
0xa3: {  	_ =	swait.ge [sflag:s23], $0x1  }
0xa4: {  	[sflag:s23] =	ssyncset.done $0x0  }
0xa5: {  	s25 =	simm.s32 $0x1B8E;
	s24 =	sld [smem:$0x3FFE];
	[sflag:s23] =	ssyncadd.s32 $0xFFFFFFFF  }
0xa6: {  	s26 =	simm.s32 $execute0_lowered;
	[smem:$0x3FD2] =	sst s25  }
0xa7: {  	s6 =	sshll.u32 s26, $0x1;
	_ =	strace $0x80000046;
	[dreg:$0x1] =	wrdreg $0xFFFFFFFF  }
0xa8: {  	s28 =	simm.s32 $_size_execute0_lowered;
	s4 =	sadd.s32 s4, s6;
	[dreg:$0x0] =	wrdreg $0x0  }
0xa9: {  	s6 =	sshll.u32 s28, $0x1;
	[dreg:$0x2] =	wrdreg s4  }
0xaa: {  	[dreg:$0x3] =	wrdreg s6  }
0xab: {  	[dreg:$0x4] =	wrdreg $0xC0  }
0xac: {  	_ =	task [dreg:s8], $0x5FFFF  }
0xad: {  	[dreg:$0x1] =	wrdreg $0xFFFFFFFF  }
0xae: {  	[dreg:$0x0] =	wrdreg $0x60  }
0xaf: {  	[dreg:$0x2] =	wrdreg s2  }
0xb0: {  	[dreg:$0x3] =	wrdreg s24  }
0xb1: {  	[dreg:$0x4] =	wrdreg s18  }
0xb2: {  	[dreg:$0x5] =	wrdreg $0x9  }
0xb3: {  	_ =	task.clear_ibuf [dreg:s8], $0x6FFFF;
	_ =	strace $0x90000046  }
0xb4: {  	s29 =	simm.s32 $0x9;
	_ =	strace $0x80000048  }
0xb5: {  	_ =	swait.ge [sflag:s29], $0x1  }
0xb6: {  	[sflag:s29] =	ssyncadd.s32 $0xFFFFFFFF  }
0xb7: {  	_ =	strace $0x90000048  }
0xb8: {  	_ =	sfence  }
0xb9: {  	s30 =	sld [smem:$0x0];
	_ =	sdelay $0x2  }
0xba: {  	s31 =	sshll.u32 s1, $0xD;
	s1 =	sshrl.u32 s1, $0x2  }
0xbb: {  	s3 =	sand.u32 $0x4000, s31;
	s1 =	sadd.s32 s1, s30  }
0xbc: {  	s0 =	sor.u32 s3, s0;
	s1 =	sshll.u32 s1, $0x11  }
0xbd: {  	s0 =	sor.u32 s1, s0  }
0xbe: {  	s0 =	sadd.s32 $0x8F2B, s0  }
0xbf: {  	[sflag:s0] =	ssyncadd.remote.s32 $0x1  }
0xc0: {  	_ =	sfence.sel $0xFFFF  }
0xc1: {  	[dreg:$0x0] =	wrdreg $0xFFFFFFFF;
	(pc) =	sbr.abs _section_cstart, $3  }
0xc2: {  	[dreg:$0x1] =	wrdreg $0xFFFFFFFF  }
0xc3: {  	_ =	task.clear_ibuf [dreg:s8], $0x2FFFF;
	_ =	strace $0x9FFFFFFF  }
0xc4: {  	(tm) =	ssettm $0x7FFFFFFF  }
0xc5: {  	_ =	shalt  }
tec
execute0_lowered:
.L_overlay_start_1:
0x0: {  	(tag) =	ssettag $0x1  }
0x1: {  	s1 =	rddreg [dreg:$0x0]  }
0x2: {  	s0 =	rddreg [dreg:$0x1];
	s2 =	srdreg.scid  }
0x3: {  	s4 =	stileid.u32;
	s3 =	rddreg [dreg:$0x2];
	s15 =	simm.s32 $0x5  }
0x4: {  	s17 =	simm.s32 $0x100;
	s18 =	simm.s32 $0x4100;
	s19 =	simm.s32 $0x1  }
0x5: {  	s20 =	simm.s32 $0x8100;
	s21 =	simm.s32 $0x2;
	s22 =	simm.s32 $0xC100  }
0x6: {  	s23 =	simm.s32 $0x3;
	s2 =	sand.u32 $0x1, s2;
	s4 =	sshll.u32 s4, $0x1  }
0x7: {  	s24 =	simm.s32 $0x4;
	s25 =	simm.s32 $0x0;
	s5 =	sor.u32 s2, s4  }
0x8: {  	s4 =	simm.s32 $0x0;
	s2 =	ssub.s32 $0x2, s2;
	s6 =	smul.u32 $0x6, s5  }
0x9: {  	[smem:$0x7FF] =	sst s4;
	s7 =	sshrl.u32 s2, $0x1;
	s5 =	smul.u32 $0xC0000, s5  }
0xa: {  	_ =	strace $0x80000047;
	s2 =	ssub.s32 s2, s7;
	s0 =	sadd.s32 s6, s0  }
0xb: {  	s31 =	sshrl.u32 s5, $0x3;
	s9 =	sor.u32 $0x4000, s5;
	s10 =	sadd.s32 $0x44000, s5  }
0xc: {  	s11 =	sadd.s32 $0x40000, s5;
	s12 =	sadd.s32 $0x84000, s5;
	s6 =	sadd.s32 $0x800, s0  }
0xd: {  	s13 =	sadd.s32 $0x80000, s5;
	s0 =	sadd.s32 $0x600, s0;
	[dreg:$0x4] =	wrdreg s6  }
0xe: {  	s14 =	smax.u32 s2, $0x1;
	s8 =	sadd.s32 s1, s31;
	[dreg:$0x5] =	wrdreg s0  }
.LBB2_1:
0xf: {  	s0 =	rddreg [dreg:$0x4]  }
0x10: {  	[tilespmem:s4], [sflag:$0x5] =	stream.linear.gather [hbm4b:s0+s4], $0x30, $0x38;
	[tilespmem:$0x10100] =	vst v63  }
0x11: {  	_ =	swait.ge [sflag:s15], $0x30  }
0x12: {  	[sflag:s15] =	ssyncset.done $0x0  }
0x13: {  	s2 =	simm.s32 $0x80;
	s31 =	rddreg [dreg:$0x5];
	[sflag:s15] =	ssyncadd.s32 $0xFFFFFFD0  }
0x14: {  	[tilespmem:s2], [sflag:$0x5] =	stream.linear.gather [hbm4b:s31+s4], $0x30, $0x38;
	[tilespmem:$0x10100] =	vst v63  }
0x15: {  	_ =	swait.ge [sflag:s15], $0x30  }
0x16: {  	[sflag:s15] =	ssyncset.done $0x0  }
0x17: {  	[sflag:s15] =	ssyncadd.s32 $0xFFFFFFD0  }
0x18: {  	[tilespmem:s17], [sflag:$0x1] =	stream.linear.gather [hbm4b:s8+s4], $0x4000, $0x38;
	[tilespmem:$0x10100] =	vst v63  }
0x19: {  	v0 =	vld [tilespmem:$0x0]  }
0x1a: {  	v1 =	vld [tilespmem:$0x80];
	_ =	sdelay $0x3  }
0x1b: {  	s26 =	simm.s32 $0x0  }
.LBB2_2:
0x1c: {  	s29 =	sshll.u32 s26, $0xF  }
0x1d: {  	s0 =	sadd.s32 s9, s29  }
0x1e: {  	s28 =	sshrl.u32 s0, $0x3  }
0x1f: {  	s0 =	sadd.s32 s1, s28  }
0x20: {  	[tilespmem:s18], [sflag:$0x2] =	stream.linear.gather [hbm4b:s0+s4], $0x4000, $0x38;
	[tilespmem:$0x10100] =	vst v63  }
0x21: {  	_ =	swait.ge [sflag:s19], $0x4000  }
0x22: {  	p0 =	seq.s32 s26, $0x0;
	s2 =	simm.s32 $0x0;
	[sflag:s19] =	ssyncset.done $0x0  }
0x23: {  	s6 =	simm.s32 $0x0;
	s0 =	simm.s32 @!p0 $0x3;
	[sflag:s19] =	ssyncadd.s32 $0xFFFFC000  }
0x24: {  	s6 =	sand.u32 $0x3000, s6;
	s16 =	sand.u32 $0xC00, s2;
	_ =	swait.ge @!p0 [sflag:s0], $0x4000  }
0x25: {  	s2 =	sand.u32 $0x380, s2;
	s6 =	sor.u32 s6, s16;
	[sflag:s0] =	ssyncset.done @!p0 $0x0  }
0x26: {  	s30 =	sor.u32 s2, s6;
	[sflag:s0] =	ssyncadd.s32 @!p0 $0xFFFFC000  }
0x27: {  	v6 =	vld [tilespmem:s30+$0x170]  }
0x28: {  	v7 =	vld [tilespmem:s30+$0x160]  }
0x29: {  	v9 =	vld [tilespmem:s30+$0x120]  }
0x2a: {  	v4 =	vld [tilespmem:s30+$0x140]  }
0x2b: {  	v2 =	vld [tilespmem:s30+$0x150]  }
0x2c: {  	s2 =	simm.s32 $0x80;
	s0 =	simm.s32 $0x400;
	v5 =	vld [tilespmem:s30+$0x130]  }
0x2d: {  	s16 =	simm.s32 $0x20;
	s7 =	sand.u32 $0x3000, s2;
	s31 =	sand.u32 $0xC00, s0  }
0x2e: {  	s6 =	sor.u32 s7, s31;
	s31 =	sand.u32 $0x380, s16;
	v3 =	vmul.f32 $1.600000000e+01, v6  }
0x2f: {  	s31 =	sor.u32 s31, s6;
	v8 =	vmul.f32 $1.600000000e+01, v7;
	v11 =	vmul.f32 $1.600000000e+01, v9  }
0x30: {  	v32 =	vld [tilespmem:s31+$0x170];
	v12 =	vmul.f32 $1.600000000e+01, v4;
	v13 =	vmul.f32 $1.600000000e+01, v2  }
0x31: {  	v15 =	vmul.f32 $1.600000000e+01, v5;
	v10 =	vtrunc.f32 v3  }
0x32: {  	v8 =	vtrunc.f32 v8;
	v11 =	vtrunc.f32 v11  }
0x33: {  	v13 =	vtrunc.f32 v13;
	v8 =	vcvt.f32.s32 v8  }
0x34: {  	v3 =	vld [tilespmem:s30+$0x110];
	v12 =	vtrunc.f32 v12;
	v10 =	vcvt.f32.s32 v10  }
0x35: {  	v20 =	vcvt.f32.s32 v12;
	v22 =	vmul.f32 $1.600000000e+01, v32;
	v8 =	vand.u32 $0xF, v8  }
0x36: {  	v21 =	vcvt.f32.s32 v13;
	v14 =	vand.u32 $0xF, v10;
	v10 =	vperm.xlane v1, v8  }
0x37: {  	v22 =	vtrunc.f32 v22;
	v16 =	vperm.xlane v1, v14  }
0x38: {  	v14 =	vperm.xlane v0, v14;
	v17 =	vmul.f32 v10, v7  }
0x39: {  	v7 =	vmul.f32 $1.600000000e+01, v3;
	v18 =	vmul.f32 v16, v6  }
0x3a: {  	v28 =	vld [tilespmem:s31+$0x160];
	v6 =	vperm.xlane v0, v8;
	v8 =	vcvt.f32.s32 v11  }
0x3b: {  	v21 =	vand.u32 $0xF, v21;
	v22 =	vcvt.f32.s32 v22;
	v10 =	vld [tilespmem:s30+$0x100];
	v11 =	vtrunc.f32 v15  }
0x3c: {  	v11 =	vcvt.f32.s32 v11;
	v7 =	vtrunc.f32 v7;
	v15 =	vand.u32 $0xF, v8  }
0x3d: {  	v18 =	vadd.f32 v18, v14;
	v14 =	vperm.xlane v0, v21;
	v12 =	vcvt.f32.s32 v7  }
0x3e: {  	v8 =	vld [tilespmem:s31+$0x140];
	v23 =	vperm.xlane v0, v15;
	v30 =	vand.u32 $0xF, v11;
	v11 =	vperm.xlane v1, v15  }
0x3f: {  	v17 =	vadd.f32 v17, v6;
	v6 =	vld [tilespmem:s31+$0x150];
	v15 =	vmul.f32 $1.600000000e+01, v28;
	v16 =	vperm.xlane v1, v30  }
0x40: {  	v7 =	vld [tilespmem:s31+$0x120];
	v19 =	vmul.f32 $1.600000000e+01, v10;
	v12 =	vand.u32 $0xF, v12;
	v31 =	vmul.f32 v11, v9  }
0x41: {  	v11 =	vtrunc.f32 v15;
	v13 =	vperm.xlane v1, v12  }
0x42: {  	v12 =	vperm.xlane v0, v12;
	v29 =	vcvt.f32.s32 v11  }
0x43: {  	v9 =	vld [tilespmem:s31+$0x130];
	v24 =	vtrunc.f32 v19;
	v19 =	vmul.f32 $1.600000000e+01, v8  }
0x44: {  	v33 =	vmul.f32 $1.600000000e+01, v6;
	v24 =	vcvt.f32.s32 v24  }
0x45: {  	v35 =	vadd.f32 v31, v23;
	v25 =	vmul.f32 $1.600000000e+01, v7;
	v29 =	vand.u32 $0xF, v29  }
0x46: {  	v11 =	vld [tilespmem:s31+$0x110];
	v34 =	vperm.xlane v1, v29;
	v23 =	vtrunc.f32 v33;
	v24 =	vand.u32 $0xF, v24  }
0x47: {  	v27 =	vtrunc.f32 v25;
	v25 =	vand.u32 $0xF, v22;
	v22 =	vperm.xlane v0, v30  }
0x48: {  	v31 =	vmul.f32 $1.600000000e+01, v9;
	v15 =	vperm.xlane v0, v24  }
0x49: {  	v20 =	vand.u32 $0xF, v20;
	[tilespmem:s30+$0x8160] =	vst v17;
	v17 =	vld [tilespmem:s31+$0x100];
	v26 =	vperm.xlane v1, v24;
	v36 =	vperm.xlane v1, v25  }
0x4a: {  	[tilespmem:s30+$0x8170] =	vst v18;
	v24 =	vperm.xlane v0, v20;
	v30 =	vmul.f32 v34, v28  }
0x4b: {  	[tilespmem:s30+$0x8120] =	vst v35;
	v28 =	vmul.f32 $1.600000000e+01, v11;
	v18 =	vmul.f32 v36, v32  }
.LBB2_3:
0x4c: {  	s2 =	sadd.s32 $0x80, s2;
	v29 =	vperm.xlane v0, v29;
	s16 =	sadd.s32 $0x20, s16;
	s0 =	sadd.s32 $0x400, s0;
	v20 =	vperm.xlane v1, v20  }
0x4d: {  	v27 =	vcvt.f32.s32 v27;
	v32 =	vperm.xlane v1, v21;
	s6 =	sand.u32 $0x3000, s2;
	s7 =	sand.u32 $0xC00, s0;
	p1 =	slt.u32 s2, $0x3F80  }
0x4e: {  	v21 =	vtrunc.f32 v31;
	v26 =	vmul.f32 v26, v10;
	v10 =	vmov v17;
	s6 =	sor.u32 s6, s7;
	s7 =	sand.u32 $0x380, s16  }
0x4f: {  	v17 =	vtrunc.f32 v19;
	v19 =	vadd.f32 v30, v29;
	v20 =	vmul.f32 v20, v4;
	v4 =	vmovc v8;
	s6 =	sor.u32 s7, s6  }
0x50: {  	v25 =	vperm.xlane v0, v25;
	v27 =	vand.u32 $0xF, v27;
	v8 =	vcvt.f32.s32 v21;
	v33 =	vld [tilespmem:s6+$0x170]  }
0x51: {  	v16 =	vmul.f32 v16, v5;
	v5 =	vmovc v9;
	v21 =	vtrunc.f32 v28;
	v30 =	vld [tilespmem:s6+$0x160];
	[tilespmem:s31+$0x8160] =	vst v19;
	v19 =	vadd.f32 v20, v24  }
0x52: {  	v17 =	vcvt.f32.s32 v17;
	v29 =	vmul.f32 v13, v3;
	v3 =	vmovc v11;
	v28 =	vand.u32 $0xF, v8;
	v24 =	vld [tilespmem:s6+$0x150]  }
0x53: {  	v31 =	vmul.f32 $1.600000000e+01, v10;
	v22 =	vadd.f32 v16, v22;
	v11 =	vcvt.f32.s32 v21;
	v9 =	vld [tilespmem:s6+$0x130];
	[tilespmem:s30+$0x8140] =	vst v19  }
0x54: {  	v34 =	vperm.xlane v0, v27;
	v20 =	vand.u32 $0xF, v17;
	v19 =	vcvt.f32.s32 v23;
	v8 =	vld [tilespmem:s6+$0x140]  }
0x55: {  	v27 =	vperm.xlane v1, v27;
	v36 =	vand.u32 $0xF, v11;
	v23 =	vld [tilespmem:s6+$0x120];
	v35 =	vmul.f32 $1.600000000e+01, v33  }
0x56: {  	v16 =	vperm.xlane v1, v28;
	v13 =	vperm.xlane v1, v36;
	v21 =	vand.u32 $0xF, v19;
	v17 =	vld [tilespmem:s6+$0x100];
	[tilespmem:s30+$0x8130] =	vst v22  }
0x57: {  	v15 =	vadd.f32 v26, v15;
	v26 =	vmul.f32 v32, v2;
	v2 =	vmovc v6;
	v11 =	vld [tilespmem:s6+$0x110];
	v22 =	vtrunc.f32 v35;
	v6 =	vmovc v24  }
0x58: {  	v31 =	vtrunc.f32 v31;
	v12 =	vadd.f32 v29, v12;
	v24 =	vmul.f32 $1.600000000e+01, v30  }
0x59: {  	v29 =	vcvt.f32.s32 v31;
	v14 =	vadd.f32 v26, v14;
	v19 =	vmul.f32 $1.600000000e+01, v8;
	[tilespmem:s30+$0x8100] =	vst v15  }
0x5a: {  	v18 =	vadd.f32 v18, v25;
	v26 =	vmul.f32 v27, v7;
	v31 =	vmul.f32 $1.600000000e+01, v23;
	[tilespmem:s30+$0x8110] =	vst v12;
	v7 =	vmovc v23  }
0x5b: {  	v15 =	vtrunc.f32 v24;
	v23 =	vand.u32 $0xF, v29;
	v12 =	vperm.xlane v0, v36;
	[tilespmem:s30+$0x8150] =	vst v14;
	s30 =	smov.u32 s31;
	s31 =	smov.u32 s6  }
0x5c: {  	v24 =	vadd.f32 v26, v34;
	v14 =	vcvt.f32.s32 v15;
	v15 =	vperm.xlane v0, v23;
	[tilespmem:s30+$0x8170] =	vst v18  }
0x5d: {  	v26 =	vperm.xlane v1, v23;
	v18 =	vcvt.f32.s32 v22  }
0x5e: {  	v27 =	vtrunc.f32 v31;
	v29 =	vand.u32 $0xF, v14;
	v14 =	vperm.xlane v0, v21;
	[tilespmem:s30+$0x8120] =	vst v24  }
.Ltmp0:
0x5f: {  	v23 =	vmul.f32 $1.600000000e+01, v6;
	v25 =	vand.u32 $0xF, v18;
	v24 =	vperm.xlane v0, v20;
	(pc) =	sbr.rel @p1 .LBB2_3-.Ltmp0, $4  }
0x60: {  	v22 =	vperm.xlane v0, v28;
	v18 =	vperm.xlane v1, v29  }
0x61: {  	v31 =	vmul.f32 $1.600000000e+01, v9;
	v32 =	vperm.xlane v1, v25  }
0x62: {  	v23 =	vtrunc.f32 v23;
	v30 =	vmul.f32 v18, v30  }
0x63: {  	v28 =	vmul.f32 $1.600000000e+01, v11;
	v18 =	vmul.f32 v32, v33  }
0x64: {  	v29 =	vperm.xlane v0, v29  }
0x65: {  	v20 =	vperm.xlane v1, v20;
	v27 =	vcvt.f32.s32 v27  }
0x66: {  	v21 =	vperm.xlane v1, v21;
	v31 =	vtrunc.f32 v31  }
0x67: {  	v10 =	vmul.f32 v26, v10;
	v19 =	vtrunc.f32 v19  }
0x68: {  	v25 =	vperm.xlane v0, v25;
	v5 =	vmul.f32 v16, v5  }
0x69: {  	v3 =	vmul.f32 v13, v3;
	v23 =	vcvt.f32.s32 v23  }
0x6a: {  	v28 =	vtrunc.f32 v28;
	v16 =	vcvt.f32.s32 v19  }
0x6b: {  	v26 =	vadd.f32 v30, v29;
	v4 =	vmul.f32 v20, v4;
	v20 =	vcvt.f32.s32 v31  }
0x6c: {  	v27 =	vand.u32 $0xF, v27;
	v13 =	vcvt.f32.s32 v28;
	v5 =	vadd.f32 v5, v22  }
0x6d: {  	v23 =	vand.u32 $0xF, v23;
	v2 =	vmul.f32 v21, v2;
	v3 =	vadd.f32 v3, v12  }
0x6e: {  	v22 =	vperm.xlane v0, v27;
	v19 =	vand.u32 $0xF, v20;
	v20 =	vmul.f32 $1.600000000e+01, v17  }
0x6f: {  	v16 =	vand.u32 $0xF, v16;
	v4 =	vadd.f32 v4, v24;
	v24 =	vperm.xlane v1, v27  }
0x70: {  	v13 =	vand.u32 $0xF, v13;
	[tilespmem:s30+$0x8110] =	vst v3;
	v3 =	vperm.xlane v0, v16;
	v20 =	vtrunc.f32 v20  }
0x71: {  	[tilespmem:s30+$0x8140] =	vst v4;
	v4 =	vadd.f32 v10, v15;
	v10 =	vperm.xlane v1, v16;
	v20 =	vcvt.f32.s32 v20  }
0x72: {  	[tilespmem:s31+$0x8160] =	vst v26;
	v2 =	vadd.f32 v2, v14;
	v27 =	vperm.xlane v1, v13;
	v26 =	vperm.xlane v1, v19  }
0x73: {  	[tilespmem:s30+$0x8130] =	vst v5;
	v5 =	vmul.f32 v24, v7;
	v8 =	vmul.f32 v10, v8;
	v7 =	vand.u32 $0xF, v20  }
0x74: {  	v12 =	vadd.f32 v18, v25;
	[tilespmem:s30+$0x8100] =	vst v4;
	v4 =	vperm.xlane v0, v7;
	v7 =	vperm.xlane v1, v7  }
0x75: {  	[tilespmem:s30+$0x8150] =	vst v2;
	v9 =	vmul.f32 v26, v9;
	v2 =	vadd.f32 v5, v22;
	v5 =	vperm.xlane v0, v19  }
0x76: {  	[tilespmem:s31+$0x8170] =	vst v12;
	v10 =	vperm.xlane v1, v23;
	v3 =	vadd.f32 v8, v3;
	v7 =	vmul.f32 v7, v17  }
0x77: {  	v8 =	vperm.xlane v0, v13;
	[tilespmem:s31+$0x8120] =	vst v2;
	v2 =	vmul.f32 v27, v11;
	v5 =	vadd.f32 v9, v5  }
0x78: {  	v9 =	vperm.xlane v0, v23;
	[tilespmem:s31+$0x8140] =	vst v3;
	v3 =	vadd.f32 v7, v4;
	v4 =	vmul.f32 v10, v6  }
0x79: {  	[tilespmem:s31+$0x8130] =	vst v5;
	v2 =	vadd.f32 v2, v8  }
0x7a: {  	s0 =	sadd.s32 s5, s29;
	[tilespmem:s31+$0x8100] =	vst v3;
	v3 =	vadd.f32 v4, v9  }
0x7b: {  	s16 =	sadd.s32 $0x8000, s29;
	s0 =	sshrl.u32 s0, $0x3;
	[tilespmem:s31+$0x8110] =	vst v2  }
0x7c: {  	s2 =	sand.u32 $0x40000, s16;
	s0 =	sadd.s32 s3, s0;
	[tilespmem:s31+$0x8150] =	vst v3  }
0x7d: {  	[hbm4b:s0+s4] =	stream.linear.scatter [tilespmem:s20], [sflag:$0x3], $0x4000, $0x38;
	[tilespmem:$0x10100] =	vst v63  }
0x7e: {  	s2 =	sadd.s32 s5, s2;
	s0 =	sand.u32 $0x38000, s16  }
0x7f: {  	s0 =	sor.u32 s0, s2  }
0x80: {  	s0 =	sshrl.u32 s0, $0x3  }
0x81: {  	s0 =	sadd.s32 s1, s0  }
0x82: {  	[tilespmem:s17], [sflag:$0x1] =	stream.linear.gather [hbm4b:s0+s4], $0x4000, $0x38;
	[tilespmem:$0x10100] =	vst v63  }
0x83: {  	_ =	swait.ge [sflag:s21], $0x4000  }
0x84: {  	s6 =	simm.s32 $0x0;
	[sflag:s21] =	ssyncset.done $0x0  }
0x85: {  	s31 =	simm.s32 $0x0;
	s0 =	simm.s32 @!p0 $0x4;
	[sflag:s21] =	ssyncadd.s32 $0xFFFFC000  }
0x86: {  	s6 =	sand.u32 $0x3000, s6;
	s7 =	sand.u32 $0xC00, s31;
	_ =	swait.ge @!p0 [sflag:s0], $0x4000  }
0x87: {  	s6 =	sor.u32 s6, s7;
	s2 =	sand.u32 $0x380, s31;
	[sflag:s0] =	ssyncset.done @!p0 $0x0  }
0x88: {  	s29 =	sor.u32 s2, s6;
	[sflag:s0] =	ssyncadd.s32 @!p0 $0xFFFFC000  }
0x89: {  	v6 =	vld [tilespmem:s29+$0x4170]  }
0x8a: {  	v7 =	vld [tilespmem:s29+$0x4160]  }
0x8b: {  	v9 =	vld [tilespmem:s29+$0x4120]  }
0x8c: {  	v4 =	vld [tilespmem:s29+$0x4140]  }
0x8d: {  	v2 =	vld [tilespmem:s29+$0x4150]  }
0x8e: {  	s2 =	simm.s32 $0x80;
	s0 =	simm.s32 $0x400;
	v5 =	vld [tilespmem:s29+$0x4130]  }
0x8f: {  	s16 =	simm.s32 $0x20;
	s7 =	sand.u32 $0x3000, s2;
	s31 =	sand.u32 $0xC00, s0  }
0x90: {  	s6 =	sor.u32 s7, s31;
	s31 =	sand.u32 $0x380, s16;
	v3 =	vmul.f32 $1.600000000e+01, v6  }
0x91: {  	s30 =	sor.u32 s31, s6;
	v8 =	vmul.f32 $1.600000000e+01, v7;
	v11 =	vmul.f32 $1.600000000e+01, v9  }
0x92: {  	v32 =	vld [tilespmem:s30+$0x4170];
	v12 =	vmul.f32 $1.600000000e+01, v4;
	v13 =	vmul.f32 $1.600000000e+01, v2  }
0x93: {  	v15 =	vmul.f32 $1.600000000e+01, v5;
	v10 =	vtrunc.f32 v3  }
0x94: {  	v8 =	vtrunc.f32 v8;
	v11 =	vtrunc.f32 v11  }
0x95: {  	v13 =	vtrunc.f32 v13;
	v8 =	vcvt.f32.s32 v8  }
0x96: {  	v3 =	vld [tilespmem:s29+$0x4110];
	v12 =	vtrunc.f32 v12;
	v10 =	vcvt.f32.s32 v10  }
0x97: {  	v20 =	vcvt.f32.s32 v12;
	v22 =	vmul.f32 $1.600000000e+01, v32;
	v8 =	vand.u32 $0xF, v8  }
0x98: {  	v21 =	vcvt.f32.s32 v13;
	v14 =	vand.u32 $0xF, v10;
	v10 =	vperm.xlane v1, v8  }
0x99: {  	v22 =	vtrunc.f32 v22;
	v16 =	vperm.xlane v1, v14  }
0x9a: {  	v14 =	vperm.xlane v0, v14;
	v17 =	vmul.f32 v10, v7  }
0x9b: {  	v7 =	vmul.f32 $1.600000000e+01, v3;
	v18 =	vmul.f32 v16, v6  }
0x9c: {  	v28 =	vld [tilespmem:s30+$0x4160];
	v6 =	vperm.xlane v0, v8;
	v8 =	vcvt.f32.s32 v11  }
0x9d: {  	v21 =	vand.u32 $0xF, v21;
	v22 =	vcvt.f32.s32 v22;
	v10 =	vld [tilespmem:s29+$0x4100];
	v11 =	vtrunc.f32 v15  }
0x9e: {  	v11 =	vcvt.f32.s32 v11;
	v7 =	vtrunc.f32 v7;
	v15 =	vand.u32 $0xF, v8  }
0x9f: {  	v18 =	vadd.f32 v18, v14;
	v14 =	vperm.xlane v0, v21;
	v12 =	vcvt.f32.s32 v7  }
0xa0: {  	v8 =	vld [tilespmem:s30+$0x4140];
	v23 =	vperm.xlane v0, v15;
	v30 =	vand.u32 $0xF, v11;
	v11 =	vperm.xlane v1, v15  }
0xa1: {  	v17 =	vadd.f32 v17, v6;
	v6 =	vld [tilespmem:s30+$0x4150];
	v15 =	vmul.f32 $1.600000000e+01, v28;
	v16 =	vperm.xlane v1, v30  }
0xa2: {  	v7 =	vld [tilespmem:s30+$0x4120];
	v19 =	vmul.f32 $1.600000000e+01, v10;
	v12 =	vand.u32 $0xF, v12;
	v31 =	vmul.f32 v11, v9  }
0xa3: {  	v11 =	vtrunc.f32 v15;
	v13 =	vperm.xlane v1, v12  }
0xa4: {  	v12 =	vperm.xlane v0, v12;
	v29 =	vcvt.f32.s32 v11  }
0xa5: {  	v9 =	vld [tilespmem:s30+$0x4130];
	v24 =	vtrunc.f32 v19;
	v19 =	vmul.f32 $1.600000000e+01, v8  }
0xa6: {  	v33 =	vmul.f32 $1.600000000e+01, v6;
	v24 =	vcvt.f32.s32 v24  }
0xa7: {  	v35 =	vadd.f32 v31, v23;
	v25 =	vmul.f32 $1.600000000e+01, v7;
	v29 =	vand.u32 $0xF, v29  }
0xa8: {  	v11 =	vld [tilespmem:s30+$0x4110];
	v34 =	vperm.xlane v1, v29;
	v23 =	vtrunc.f32 v33;
	v24 =	vand.u32 $0xF, v24  }
0xa9: {  	v27 =	vtrunc.f32 v25;
	v25 =	vand.u32 $0xF, v22;
	v22 =	vperm.xlane v0, v30  }
0xaa: {  	v31 =	vmul.f32 $1.600000000e+01, v9;
	v15 =	vperm.xlane v0, v24  }
0xab: {  	v20 =	vand.u32 $0xF, v20;
	[tilespmem:s29+$0xC160] =	vst v17;
	v17 =	vld [tilespmem:s30+$0x4100];
	v26 =	vperm.xlane v1, v24;
	v36 =	vperm.xlane v1, v25  }
0xac: {  	[tilespmem:s29+$0xC170] =	vst v18;
	v24 =	vperm.xlane v0, v20;
	v30 =	vmul.f32 v34, v28  }
0xad: {  	[tilespmem:s29+$0xC120] =	vst v35;
	v28 =	vmul.f32 $1.600000000e+01, v11;
	v18 =	vmul.f32 v36, v32  }
.LBB2_5:
0xae: {  	s2 =	sadd.s32 $0x80, s2;
	v29 =	vperm.xlane v0, v29;
	s16 =	sadd.s32 $0x20, s16;
	s0 =	sadd.s32 $0x400, s0;
	v20 =	vperm.xlane v1, v20  }
0xaf: {  	v27 =	vcvt.f32.s32 v27;
	v32 =	vperm.xlane v1, v21;
	s6 =	sand.u32 $0x3000, s2;
	s7 =	sand.u32 $0xC00, s0;
	p0 =	slt.u32 s2, $0x3F80  }
0xb0: {  	v21 =	vtrunc.f32 v31;
	v26 =	vmul.f32 v26, v10;
	v10 =	vmov v17;
	s6 =	sor.u32 s6, s7;
	s7 =	sand.u32 $0x380, s16  }
0xb1: {  	v17 =	vtrunc.f32 v19;
	v19 =	vadd.f32 v30, v29;
	v20 =	vmul.f32 v20, v4;
	v4 =	vmovc v8;
	s6 =	sor.u32 s7, s6  }
0xb2: {  	v25 =	vperm.xlane v0, v25;
	v27 =	vand.u32 $0xF, v27;
	v8 =	vcvt.f32.s32 v21;
	v33 =	vld [tilespmem:s6+$0x4170]  }
0xb3: {  	v16 =	vmul.f32 v16, v5;
	v5 =	vmovc v9;
	v21 =	vtrunc.f32 v28;
	v30 =	vld [tilespmem:s6+$0x4160];
	[tilespmem:s30+$0xC160] =	vst v19;
	v19 =	vadd.f32 v20, v24  }
0xb4: {  	v17 =	vcvt.f32.s32 v17;
	v29 =	vmul.f32 v13, v3;
	v3 =	vmovc v11;
	v28 =	vand.u32 $0xF, v8;
	v24 =	vld [tilespmem:s6+$0x4150]  }
0xb5: {  	v31 =	vmul.f32 $1.600000000e+01, v10;
	v22 =	vadd.f32 v16, v22;
	v11 =	vcvt.f32.s32 v21;
	v9 =	vld [tilespmem:s6+$0x4130];
	[tilespmem:s29+$0xC140] =	vst v19  }
0xb6: {  	v34 =	vperm.xlane v0, v27;
	v20 =	vand.u32 $0xF, v17;
	v19 =	vcvt.f32.s32 v23;
	v8 =	vld [tilespmem:s6+$0x4140]  }
0xb7: {  	v27 =	vperm.xlane v1, v27;
	v36 =	vand.u32 $0xF, v11;
	v23 =	vld [tilespmem:s6+$0x4120];
	v35 =	vmul.f32 $1.600000000e+01, v33  }
0xb8: {  	v16 =	vperm.xlane v1, v28;
	v13 =	vperm.xlane v1, v36;
	v21 =	vand.u32 $0xF, v19;
	v17 =	vld [tilespmem:s6+$0x4100];
	[tilespmem:s29+$0xC130] =	vst v22  }
0xb9: {  	v15 =	vadd.f32 v26, v15;
	v26 =	vmul.f32 v32, v2;
	v2 =	vmovc v6;
	v11 =	vld [tilespmem:s6+$0x4110];
	v22 =	vtrunc.f32 v35;
	v6 =	vmovc v24  }
0xba: {  	v31 =	vtrunc.f32 v31;
	v12 =	vadd.f32 v29, v12;
	v24 =	vmul.f32 $1.600000000e+01, v30  }
0xbb: {  	v29 =	vcvt.f32.s32 v31;
	v14 =	vadd.f32 v26, v14;
	v19 =	vmul.f32 $1.600000000e+01, v8;
	[tilespmem:s29+$0xC100] =	vst v15  }
0xbc: {  	v18 =	vadd.f32 v18, v25;
	v26 =	vmul.f32 v27, v7;
	v31 =	vmul.f32 $1.600000000e+01, v23;
	[tilespmem:s29+$0xC110] =	vst v12;
	v7 =	vmovc v23  }
0xbd: {  	v15 =	vtrunc.f32 v24;
	v23 =	vand.u32 $0xF, v29;
	v12 =	vperm.xlane v0, v36;
	[tilespmem:s29+$0xC150] =	vst v14;
	s29 =	smov.u32 s30;
	s30 =	smov.u32 s6  }
0xbe: {  	v24 =	vadd.f32 v26, v34;
	v14 =	vcvt.f32.s32 v15;
	v15 =	vperm.xlane v0, v23;
	[tilespmem:s29+$0xC170] =	vst v18  }
0xbf: {  	v26 =	vperm.xlane v1, v23;
	v18 =	vcvt.f32.s32 v22  }
0xc0: {  	v27 =	vtrunc.f32 v31;
	v29 =	vand.u32 $0xF, v14;
	v14 =	vperm.xlane v0, v21;
	[tilespmem:s29+$0xC120] =	vst v24  }
.Ltmp1:
0xc1: {  	v23 =	vmul.f32 $1.600000000e+01, v6;
	v25 =	vand.u32 $0xF, v18;
	v24 =	vperm.xlane v0, v20;
	(pc) =	sbr.rel @p0 .LBB2_5-.Ltmp1, $4  }
0xc2: {  	v22 =	vperm.xlane v0, v28;
	v18 =	vperm.xlane v1, v29  }
0xc3: {  	v31 =	vmul.f32 $1.600000000e+01, v9;
	v32 =	vperm.xlane v1, v25  }
0xc4: {  	v23 =	vtrunc.f32 v23;
	v30 =	vmul.f32 v18, v30  }
0xc5: {  	v28 =	vmul.f32 $1.600000000e+01, v11;
	v18 =	vmul.f32 v32, v33  }
0xc6: {  	v29 =	vperm.xlane v0, v29  }
0xc7: {  	v20 =	vperm.xlane v1, v20;
	v27 =	vcvt.f32.s32 v27  }
0xc8: {  	v21 =	vperm.xlane v1, v21;
	v31 =	vtrunc.f32 v31  }
0xc9: {  	v10 =	vmul.f32 v26, v10;
	v19 =	vtrunc.f32 v19  }
0xca: {  	v25 =	vperm.xlane v0, v25;
	v5 =	vmul.f32 v16, v5  }
0xcb: {  	v3 =	vmul.f32 v13, v3;
	v48 =	vmul.f32 $1.600000000e+01, v17  }
0xcc: {  	v23 =	vcvt.f32.s32 v23;
	v44 =	vcvt.f32.s32 v31  }
0xcd: {  	v28 =	vtrunc.f32 v28;
	v45 =	vcvt.f32.s32 v19;
	v43 =	vadd.f32 v30, v29  }
0xce: {  	v4 =	vmul.f32 v20, v4;
	v27 =	vand.u32 $0xF, v27;
	v47 =	vcvt.f32.s32 v28  }
0xcf: {  	v5 =	vadd.f32 v5, v22;
	v20 =	vtrunc.f32 v48;
	v23 =	vand.u32 $0xF, v23  }
0xd0: {  	v53 =	vadd.f32 v10, v15;
	v2 =	vmul.f32 v21, v2;
	v3 =	vadd.f32 v3, v12  }
0xd1: {  	v58 =	vadd.f32 v18, v25;
	v46 =	vand.u32 $0xF, v44;
	v49 =	vperm.xlane v0, v27  }
0xd2: {  	v50 =	vperm.xlane v1, v27;
	v16 =	vand.u32 $0xF, v45;
	v20 =	vcvt.f32.s32 v20;
	[tilespmem:s30+$0xC160] =	vst v43  }
0xd3: {  	v60 =	vperm.xlane v1, v23;
	v4 =	vadd.f32 v4, v24;
	v52 =	vperm.xlane v1, v46;
	[tilespmem:s29+$0xC130] =	vst v5  }
0xd4: {  	v56 =	vperm.xlane v1, v16;
	v2 =	vadd.f32 v2, v14;
	[tilespmem:s29+$0xC110] =	vst v3;
	v3 =	vperm.xlane v0, v16  }
0xd5: {  	[tilespmem:s29+$0xC100] =	vst v53;
	v59 =	vperm.xlane v0, v46;
	v54 =	vmul.f32 v50, v7;
	v55 =	vand.u32 $0xF, v20  }
0xd6: {  	v13 =	vand.u32 $0xF, v47;
	[tilespmem:s30+$0xC170] =	vst v58;
	v7 =	vperm.xlane v1, v55;
	v8 =	vmul.f32 v56, v8  }
0xd7: {  	v51 =	vperm.xlane v1, v13;
	[tilespmem:s29+$0xC150] =	vst v2;
	v9 =	vmul.f32 v52, v9;
	v2 =	vadd.f32 v54, v49  }
0xd8: {  	[tilespmem:s29+$0xC140] =	vst v4;
	v57 =	vperm.xlane v0, v55;
	v7 =	vmul.f32 v7, v17;
	v3 =	vadd.f32 v8, v3  }
0xd9: {  	s26 =	sadd.s32 $0x1, s26;
	v61 =	vperm.xlane v0, v13;
	v5 =	vadd.f32 v9, v59;
	[tilespmem:s30+$0xC120] =	vst v2;
	v2 =	vmul.f32 v51, v11  }
0xda: {  	p0 =	sne.s32 s26, $0x8;
	v62 =	vperm.xlane v0, v23;
	v63 =	vmul.f32 v60, v6;
	[tilespmem:s30+$0xC140] =	vst v3;
	v3 =	vadd.f32 v7, v57  }
.Ltmp2:
0xdb: {  	[tilespmem:s30+$0xC130] =	vst v5;
	v2 =	vadd.f32 v2, v61;
	(pc) =	sbr.rel @p0 .LBB2_2-.Ltmp2, $4  }
0xdc: {  	[tilespmem:s30+$0xC100] =	vst v3;
	v3 =	vadd.f32 v63, v62  }
0xdd: {  	[tilespmem:s30+$0xC110] =	vst v2  }
0xde: {  	s0 =	sadd.s32 s3, s28;
	[tilespmem:s30+$0xC150] =	vst v3  }
0xdf: {  	[hbm4b:s0+s4] =	stream.linear.scatter [tilespmem:s22], [sflag:$0x4], $0x4000, $0x38;
	[tilespmem:$0x10100] =	vst v63  }
0xe0: {  	v0 =	vld [tilespmem:$0x10]  }
0xe1: {  	v1 =	vld [tilespmem:$0x90];
	_ =	sdelay $0x3  }
0xe2: {  	s26 =	simm.s32 $0x0;
	s28 =	simm.s32 $0x0  }
.LBB2_8:
0xe3: {  	s30 =	sshll.u32 s28, $0xF  }
0xe4: {  	s0 =	sadd.s32 s10, s30  }
0xe5: {  	s0 =	sshrl.u32 s0, $0x3  }
0xe6: {  	s0 =	sadd.s32 s1, s0  }
0xe7: {  	[tilespmem:s18], [sflag:$0x2] =	stream.linear.gather [hbm4b:s0+s26], $0x4000, $0x38;
	[tilespmem:$0x10100] =	vst v63  }
0xe8: {  	_ =	swait.ge [sflag:s19], $0x4000  }
0xe9: {  	[sflag:s19] =	ssyncset.done $0x0  }
0xea: {  	s7 =	simm.s32 $0x0;
	[sflag:s19] =	ssyncadd.s32 $0xFFFFC000  }
0xeb: {  	s2 =	sand.u32 $0xC00, s26;
	s0 =	sand.u32 $0x3000, s7;
	_ =	swait.ge [sflag:s23], $0x4000  }
0xec: {  	s16 =	sand.u32 $0x380, s26;
	s0 =	sor.u32 s0, s2;
	[sflag:s23] =	ssyncset.done $0x0  }
0xed: {  	s29 =	sor.u32 s16, s0;
	[sflag:s23] =	ssyncadd.s32 $0xFFFFC000  }
0xee: {  	v6 =	vld [tilespmem:s29+$0x170]  }
0xef: {  	v7 =	vld [tilespmem:s29+$0x160]  }
0xf0: {  	s2 =	simm.s32 $0x80;
	s0 =	simm.s32 $0x400;
	v9 =	vld [tilespmem:s29+$0x120]  }
0xf1: {  	s16 =	simm.s32 $0x20;
	s6 =	sand.u32 $0x3000, s2;
	s7 =	sand.u32 $0xC00, s0;
	v4 =	vld [tilespmem:s29+$0x140]  }
0xf2: {  	s6 =	sor.u32 s6, s7;
	s7 =	sand.u32 $0x380, s16;
	v2 =	vld [tilespmem:s29+$0x150]  }
0xf3: {  	s31 =	sor.u32 s7, s6;
	v5 =	vld [tilespmem:s29+$0x130]  }
0xf4: {  	v32 =	vld [tilespmem:s31+$0x170];
	_ =	sdelay $0x1  }
0xf5: {  	v3 =	vmul.f32 $1.600000000e+01, v6  }
0xf6: {  	v8 =	vmul.f32 $1.600000000e+01, v7;
	v11 =	vmul.f32 $1.600000000e+01, v9  }
0xf7: {  	v12 =	vmul.f32 $1.600000000e+01, v4;
	v13 =	vmul.f32 $1.600000000e+01, v2  }
0xf8: {  	v15 =	vmul.f32 $1.600000000e+01, v5;
	v22 =	vmul.f32 $1.600000000e+01, v32  }
0xf9: {  	v10 =	vtrunc.f32 v3;
	v8 =	vtrunc.f32 v8  }
0xfa: {  	v11 =	vtrunc.f32 v11;
	v8 =	vcvt.f32.s32 v8  }
0xfb: {  	v3 =	vld [tilespmem:s29+$0x110];
	v13 =	vtrunc.f32 v13;
	v10 =	vcvt.f32.s32 v10  }
0xfc: {  	v12 =	vtrunc.f32 v12;
	v22 =	vtrunc.f32 v22;
	v8 =	vand.u32 $0xF, v8  }
0xfd: {  	v20 =	vcvt.f32.s32 v12;
	v14 =	vand.u32 $0xF, v10;
	v10 =	vperm.xlane v1, v8  }
0xfe: {  	v21 =	vcvt.f32.s32 v13;
	v16 =	vperm.xlane v1, v14  }
0xff: {  	v22 =	vcvt.f32.s32 v22;
	v17 =	vmul.f32 v10, v7  }
0x100: {  	v7 =	vmul.f32 $1.600000000e+01, v3;
	v18 =	vmul.f32 v16, v6  }
0x101: {  	v28 =	vld [tilespmem:s31+$0x160];
	v6 =	vperm.xlane v0, v8;
	v8 =	vcvt.f32.s32 v11  }
0x102: {  	v21 =	vand.u32 $0xF, v21;
	v14 =	vperm.xlane v0, v14;
	v10 =	vld [tilespmem:s29+$0x100];
	v11 =	vtrunc.f32 v15  }
0x103: {  	v11 =	vcvt.f32.s32 v11;
	v7 =	vtrunc.f32 v7;
	v15 =	vand.u32 $0xF, v8  }
0x104: {  	v18 =	vadd.f32 v18, v14;
	v14 =	vperm.xlane v0, v21;
	v12 =	vcvt.f32.s32 v7  }
0x105: {  	v8 =	vld [tilespmem:s31+$0x140];
	v23 =	vperm.xlane v0, v15;
	v30 =	vand.u32 $0xF, v11;
	v11 =	vperm.xlane v1, v15  }
0x106: {  	v17 =	vadd.f32 v17, v6;
	v6 =	vld [tilespmem:s31+$0x150];
	v15 =	vmul.f32 $1.600000000e+01, v28;
	v16 =	vperm.xlane v1, v30  }
0x107: {  	v7 =	vld [tilespmem:s31+$0x120];
	v19 =	vmul.f32 $1.600000000e+01, v10;
	v12 =	vand.u32 $0xF, v12;
	v31 =	vmul.f32 v11, v9  }
0x108: {  	v11 =	vtrunc.f32 v15;
	v13 =	vperm.xlane v1, v12  }
0x109: {  	v12 =	vperm.xlane v0, v12;
	v29 =	vcvt.f32.s32 v11  }
0x10a: {  	v9 =	vld [tilespmem:s31+$0x130];
	v24 =	vtrunc.f32 v19;
	v19 =	vmul.f32 $1.600000000e+01, v8  }
0x10b: {  	v33 =	vmul.f32 $1.600000000e+01, v6;
	v24 =	vcvt.f32.s32 v24  }
0x10c: {  	v35 =	vadd.f32 v31, v23;
	v25 =	vmul.f32 $1.600000000e+01, v7;
	v29 =	vand.u32 $0xF, v29  }
0x10d: {  	v11 =	vld [tilespmem:s31+$0x110];
	v34 =	vperm.xlane v1, v29;
	v23 =	vtrunc.f32 v33;
	v24 =	vand.u32 $0xF, v24  }
0x10e: {  	v27 =	vtrunc.f32 v25;
	v25 =	vand.u32 $0xF, v22;
	v22 =	vperm.xlane v0, v30  }
0x10f: {  	v31 =	vmul.f32 $1.600000000e+01, v9;
	v15 =	vperm.xlane v0, v24  }
0x110: {  	v20 =	vand.u32 $0xF, v20;
	[tilespmem:s29+$0x8160] =	vst v17;
	v17 =	vld [tilespmem:s31+$0x100];
	v26 =	vperm.xlane v1, v24;
	v36 =	vperm.xlane v1, v25  }
0x111: {  	[tilespmem:s29+$0x8170] =	vst v18;
	v24 =	vperm.xlane v0, v20;
	v30 =	vmul.f32 v34, v28  }
0x112: {  	[tilespmem:s29+$0x8120] =	vst v35;
	v28 =	vmul.f32 $1.600000000e+01, v11;
	v18 =	vmul.f32 v36, v32  }
.LBB2_9:
0x113: {  	s2 =	sadd.s32 $0x80, s2;
	v29 =	vperm.xlane v0, v29;
	s16 =	sadd.s32 $0x20, s16;
	s0 =	sadd.s32 $0x400, s0;
	v20 =	vperm.xlane v1, v20  }
0x114: {  	v27 =	vcvt.f32.s32 v27;
	v32 =	vperm.xlane v1, v21;
	s6 =	sand.u32 $0x3000, s2;
	s7 =	sand.u32 $0xC00, s0;
	p0 =	slt.u32 s2, $0x3F80  }
0x115: {  	v21 =	vtrunc.f32 v31;
	v26 =	vmul.f32 v26, v10;
	v10 =	vmov v17;
	s6 =	sor.u32 s6, s7;
	s7 =	sand.u32 $0x380, s16  }
0x116: {  	v17 =	vtrunc.f32 v19;
	v19 =	vadd.f32 v30, v29;
	v20 =	vmul.f32 v20, v4;
	v4 =	vmovc v8;
	s6 =	sor.u32 s7, s6  }
0x117: {  	v25 =	vperm.xlane v0, v25;
	v27 =	vand.u32 $0xF, v27;
	v8 =	vcvt.f32.s32 v21;
	v33 =	vld [tilespmem:s6+$0x170]  }
0x118: {  	v16 =	vmul.f32 v16, v5;
	v5 =	vmovc v9;
	v21 =	vtrunc.f32 v28;
	v30 =	vld [tilespmem:s6+$0x160];
	[tilespmem:s31+$0x8160] =	vst v19;
	v19 =	vadd.f32 v20, v24  }
0x119: {  	v17 =	vcvt.f32.s32 v17;
	v29 =	vmul.f32 v13, v3;
	v3 =	vmovc v11;
	v28 =	vand.u32 $0xF, v8;
	v24 =	vld [tilespmem:s6+$0x150]  }
0x11a: {  	v31 =	vmul.f32 $1.600000000e+01, v10;
	v22 =	vadd.f32 v16, v22;
	v11 =	vcvt.f32.s32 v21;
	v9 =	vld [tilespmem:s6+$0x130];
	[tilespmem:s29+$0x8140] =	vst v19  }
0x11b: {  	v34 =	vperm.xlane v0, v27;
	v20 =	vand.u32 $0xF, v17;
	v19 =	vcvt.f32.s32 v23;
	v8 =	vld [tilespmem:s6+$0x140]  }
0x11c: {  	v27 =	vperm.xlane v1, v27;
	v36 =	vand.u32 $0xF, v11;
	v23 =	vld [tilespmem:s6+$0x120];
	v35 =	vmul.f32 $1.600000000e+01, v33  }
0x11d: {  	v16 =	vperm.xlane v1, v28;
	v13 =	vperm.xlane v1, v36;
	v21 =	vand.u32 $0xF, v19;
	v17 =	vld [tilespmem:s6+$0x100];
	[tilespmem:s29+$0x8130] =	vst v22  }
0x11e: {  	v15 =	vadd.f32 v26, v15;
	v26 =	vmul.f32 v32, v2;
	v2 =	vmovc v6;
	v11 =	vld [tilespmem:s6+$0x110];
	v22 =	vtrunc.f32 v35;
	v6 =	vmovc v24  }
0x11f: {  	v31 =	vtrunc.f32 v31;
	v12 =	vadd.f32 v29, v12;
	v24 =	vmul.f32 $1.600000000e+01, v30  }
0x120: {  	v29 =	vcvt.f32.s32 v31;
	v14 =	vadd.f32 v26, v14;
	v19 =	vmul.f32 $1.600000000e+01, v8;
	[tilespmem:s29+$0x8100] =	vst v15  }
0x121: {  	v18 =	vadd.f32 v18, v25;
	v26 =	vmul.f32 v27, v7;
	v31 =	vmul.f32 $1.600000000e+01, v23;
	[tilespmem:s29+$0x8110] =	vst v12;
	v7 =	vmovc v23  }
0x122: {  	v15 =	vtrunc.f32 v24;
	v23 =	vand.u32 $0xF, v29;
	v12 =	vperm.xlane v0, v36;
	[tilespmem:s29+$0x8150] =	vst v14;
	s29 =	smov.u32 s31;
	s31 =	smov.u32 s6  }
0x123: {  	v24 =	vadd.f32 v26, v34;
	v14 =	vcvt.f32.s32 v15;
	v15 =	vperm.xlane v0, v23;
	[tilespmem:s29+$0x8170] =	vst v18  }
0x124: {  	v26 =	vperm.xlane v1, v23;
	v18 =	vcvt.f32.s32 v22  }
0x125: {  	v27 =	vtrunc.f32 v31;
	v29 =	vand.u32 $0xF, v14;
	v14 =	vperm.xlane v0, v21;
	[tilespmem:s29+$0x8120] =	vst v24  }
.Ltmp3:
0x126: {  	v23 =	vmul.f32 $1.600000000e+01, v6;
	v25 =	vand.u32 $0xF, v18;
	v24 =	vperm.xlane v0, v20;
	(pc) =	sbr.rel @p0 .LBB2_9-.Ltmp3, $4  }
0x127: {  	v22 =	vperm.xlane v0, v28;
	v18 =	vperm.xlane v1, v29  }
0x128: {  	v31 =	vmul.f32 $1.600000000e+01, v9;
	v32 =	vperm.xlane v1, v25  }
0x129: {  	v23 =	vtrunc.f32 v23;
	v30 =	vmul.f32 v18, v30  }
0x12a: {  	v28 =	vmul.f32 $1.600000000e+01, v11;
	v18 =	vmul.f32 v32, v33  }
0x12b: {  	v29 =	vperm.xlane v0, v29  }
0x12c: {  	v20 =	vperm.xlane v1, v20;
	v27 =	vcvt.f32.s32 v27  }
0x12d: {  	v21 =	vperm.xlane v1, v21;
	v31 =	vtrunc.f32 v31  }
0x12e: {  	v10 =	vmul.f32 v26, v10;
	v19 =	vtrunc.f32 v19  }
0x12f: {  	v25 =	vperm.xlane v0, v25;
	v5 =	vmul.f32 v16, v5  }
0x130: {  	v3 =	vmul.f32 v13, v3;
	v23 =	vcvt.f32.s32 v23  }
0x131: {  	v28 =	vtrunc.f32 v28;
	v16 =	vcvt.f32.s32 v19  }
0x132: {  	v26 =	vadd.f32 v30, v29;
	v4 =	vmul.f32 v20, v4;
	v20 =	vcvt.f32.s32 v31  }
0x133: {  	v27 =	vand.u32 $0xF, v27;
	v13 =	vcvt.f32.s32 v28;
	v5 =	vadd.f32 v5, v22  }
0x134: {  	v23 =	vand.u32 $0xF, v23;
	v2 =	vmul.f32 v21, v2;
	v3 =	vadd.f32 v3, v12  }
0x135: {  	v22 =	vperm.xlane v0, v27;
	v19 =	vand.u32 $0xF, v20;
	v20 =	vmul.f32 $1.600000000e+01, v17  }
0x136: {  	v16 =	vand.u32 $0xF, v16;
	v4 =	vadd.f32 v4, v24;
	v24 =	vperm.xlane v1, v27  }
0x137: {  	v13 =	vand.u32 $0xF, v13;
	[tilespmem:s29+$0x8110] =	vst v3;
	v3 =	vperm.xlane v0, v16;
	v20 =	vtrunc.f32 v20  }
0x138: {  	[tilespmem:s29+$0x8140] =	vst v4;
	v4 =	vadd.f32 v10, v15;
	v10 =	vperm.xlane v1, v16;
	v20 =	vcvt.f32.s32 v20  }
0x139: {  	[tilespmem:s31+$0x8160] =	vst v26;
	v2 =	vadd.f32 v2, v14;
	v27 =	vperm.xlane v1, v13;
	v26 =	vperm.xlane v1, v19  }
0x13a: {  	[tilespmem:s29+$0x8130] =	vst v5;
	v5 =	vmul.f32 v24, v7;
	v8 =	vmul.f32 v10, v8;
	v7 =	vand.u32 $0xF, v20  }
0x13b: {  	v12 =	vadd.f32 v18, v25;
	[tilespmem:s29+$0x8100] =	vst v4;
	v4 =	vperm.xlane v0, v7;
	v7 =	vperm.xlane v1, v7  }
0x13c: {  	[tilespmem:s29+$0x8150] =	vst v2;
	v9 =	vmul.f32 v26, v9;
	v2 =	vadd.f32 v5, v22;
	v5 =	vperm.xlane v0, v19  }
0x13d: {  	[tilespmem:s31+$0x8170] =	vst v12;
	v10 =	vperm.xlane v1, v23;
	v3 =	vadd.f32 v8, v3;
	v7 =	vmul.f32 v7, v17  }
0x13e: {  	v8 =	vperm.xlane v0, v13;
	[tilespmem:s31+$0x8120] =	vst v2;
	v2 =	vmul.f32 v27, v11;
	v5 =	vadd.f32 v9, v5  }
0x13f: {  	v9 =	vperm.xlane v0, v23;
	[tilespmem:s31+$0x8140] =	vst v3;
	v3 =	vadd.f32 v7, v4;
	v4 =	vmul.f32 v10, v6  }
0x140: {  	[tilespmem:s31+$0x8130] =	vst v5;
	v2 =	vadd.f32 v2, v8  }
0x141: {  	s29 =	sadd.s32 s30, s11;
	[tilespmem:s31+$0x8100] =	vst v3;
	v3 =	vadd.f32 v4, v9  }
0x142: {  	s16 =	sadd.s32 $0x48000, s30;
	s0 =	sshrl.u32 s29, $0x3;
	[tilespmem:s31+$0x8110] =	vst v2  }
0x143: {  	s2 =	simm.s32 $0x0;
	s6 =	sand.u32 $0xC0000, s16;
	s0 =	sadd.s32 s3, s0;
	[tilespmem:s31+$0x8150] =	vst v3  }
0x144: {  	[hbm4b:s0+s2] =	stream.linear.scatter [tilespmem:s20], [sflag:$0x3], $0x4000, $0x38;
	[tilespmem:$0x10100] =	vst v63  }
0x145: {  	s6 =	sadd.s32 s5, s6;
	s0 =	sand.u32 $0x38000, s16  }
0x146: {  	s0 =	sor.u32 s0, s6  }
0x147: {  	s0 =	sshrl.u32 s0, $0x3  }
0x148: {  	s0 =	sadd.s32 s1, s0  }
0x149: {  	[tilespmem:s17], [sflag:$0x1] =	stream.linear.gather [hbm4b:s0+s2], $0x4000, $0x38;
	[tilespmem:$0x10100] =	vst v63  }
0x14a: {  	_ =	swait.ge [sflag:s21], $0x4000  }
0x14b: {  	[sflag:s21] =	ssyncset.done $0x0  }
0x14c: {  	s7 =	simm.s32 $0x0;
	[sflag:s21] =	ssyncadd.s32 $0xFFFFC000  }
0x14d: {  	s16 =	sand.u32 $0xC00, s2;
	s0 =	sand.u32 $0x3000, s7;
	_ =	swait.ge [sflag:s24], $0x4000  }
0x14e: {  	s2 =	sand.u32 $0x380, s2;
	s0 =	sor.u32 s0, s16;
	[sflag:s24] =	ssyncset.done $0x0  }
0x14f: {  	s30 =	sor.u32 s2, s0;
	[sflag:s24] =	ssyncadd.s32 $0xFFFFC000  }
0x150: {  	v6 =	vld [tilespmem:s30+$0x4170]  }
0x151: {  	v7 =	vld [tilespmem:s30+$0x4160]  }
0x152: {  	s2 =	simm.s32 $0x80;
	s0 =	simm.s32 $0x400;
	v9 =	vld [tilespmem:s30+$0x4120]  }
0x153: {  	s16 =	simm.s32 $0x20;
	s6 =	sand.u32 $0x3000, s2;
	s7 =	sand.u32 $0xC00, s0;
	v4 =	vld [tilespmem:s30+$0x4140]  }
0x154: {  	s6 =	sor.u32 s6, s7;
	s7 =	sand.u32 $0x380, s16;
	v2 =	vld [tilespmem:s30+$0x4150]  }
0x155: {  	s31 =	sor.u32 s7, s6;
	v5 =	vld [tilespmem:s30+$0x4130]  }
0x156: {  	v32 =	vld [tilespmem:s31+$0x4170];
	_ =	sdelay $0x1  }
0x157: {  	v3 =	vmul.f32 $1.600000000e+01, v6  }
0x158: {  	v8 =	vmul.f32 $1.600000000e+01, v7;
	v11 =	vmul.f32 $1.600000000e+01, v9  }
0x159: {  	v12 =	vmul.f32 $1.600000000e+01, v4;
	v13 =	vmul.f32 $1.600000000e+01, v2  }
0x15a: {  	v15 =	vmul.f32 $1.600000000e+01, v5;
	v22 =	vmul.f32 $1.600000000e+01, v32  }
0x15b: {  	v10 =	vtrunc.f32 v3;
	v8 =	vtrunc.f32 v8  }
0x15c: {  	v11 =	vtrunc.f32 v11;
	v8 =	vcvt.f32.s32 v8  }
0x15d: {  	v3 =	vld [tilespmem:s30+$0x4110];
	v13 =	vtrunc.f32 v13;
	v10 =	vcvt.f32.s32 v10  }
0x15e: {  	v12 =	vtrunc.f32 v12;
	v22 =	vtrunc.f32 v22;
	v8 =	vand.u32 $0xF, v8  }
0x15f: {  	v20 =	vcvt.f32.s32 v12;
	v14 =	vand.u32 $0xF, v10;
	v10 =	vperm.xlane v1, v8  }
0x160: {  	v21 =	vcvt.f32.s32 v13;
	v16 =	vperm.xlane v1, v14  }
0x161: {  	v22 =	vcvt.f32.s32 v22;
	v17 =	vmul.f32 v10, v7  }
0x162: {  	v7 =	vmul.f32 $1.600000000e+01, v3;
	v18 =	vmul.f32 v16, v6  }
0x163: {  	v28 =	vld [tilespmem:s31+$0x4160];
	v6 =	vperm.xlane v0, v8;
	v8 =	vcvt.f32.s32 v11  }
0x164: {  	v21 =	vand.u32 $0xF, v21;
	v14 =	vperm.xlane v0, v14;
	v10 =	vld [tilespmem:s30+$0x4100];
	v11 =	vtrunc.f32 v15  }
0x165: {  	v11 =	vcvt.f32.s32 v11;
	v7 =	vtrunc.f32 v7;
	v15 =	vand.u32 $0xF, v8  }
0x166: {  	v18 =	vadd.f32 v18, v14;
	v14 =	vperm.xlane v0, v21;
	v12 =	vcvt.f32.s32 v7  }
0x167: {  	v8 =	vld [tilespmem:s31+$0x4140];
	v23 =	vperm.xlane v0, v15;
	v30 =	vand.u32 $0xF, v11;
	v11 =	vperm.xlane v1, v15  }
0x168: {  	v17 =	vadd.f32 v17, v6;
	v6 =	vld [tilespmem:s31+$0x4150];
	v15 =	vmul.f32 $1.600000000e+01, v28;
	v16 =	vperm.xlane v1, v30  }
0x169: {  	v7 =	vld [tilespmem:s31+$0x4120];
	v19 =	vmul.f32 $1.600000000e+01, v10;
	v12 =	vand.u32 $0xF, v12;
	v31 =	vmul.f32 v11, v9  }
0x16a: {  	v11 =	vtrunc.f32 v15;
	v13 =	vperm.xlane v1, v12  }
0x16b: {  	v12 =	vperm.xlane v0, v12;
	v29 =	vcvt.f32.s32 v11  }
0x16c: {  	v9 =	vld [tilespmem:s31+$0x4130];
	v24 =	vtrunc.f32 v19;
	v19 =	vmul.f32 $1.600000000e+01, v8  }
0x16d: {  	v33 =	vmul.f32 $1.600000000e+01, v6;
	v24 =	vcvt.f32.s32 v24  }
0x16e: {  	v35 =	vadd.f32 v31, v23;
	v25 =	vmul.f32 $1.600000000e+01, v7;
	v29 =	vand.u32 $0xF, v29  }
0x16f: {  	v11 =	vld [tilespmem:s31+$0x4110];
	v34 =	vperm.xlane v1, v29;
	v23 =	vtrunc.f32 v33;
	v24 =	vand.u32 $0xF, v24  }
0x170: {  	v27 =	vtrunc.f32 v25;
	v25 =	vand.u32 $0xF, v22;
	v22 =	vperm.xlane v0, v30  }
0x171: {  	v31 =	vmul.f32 $1.600000000e+01, v9;
	v15 =	vperm.xlane v0, v24  }
0x172: {  	v20 =	vand.u32 $0xF, v20;
	[tilespmem:s30+$0xC160] =	vst v17;
	v17 =	vld [tilespmem:s31+$0x4100];
	v26 =	vperm.xlane v1, v24;
	v36 =	vperm.xlane v1, v25  }
0x173: {  	[tilespmem:s30+$0xC170] =	vst v18;
	v24 =	vperm.xlane v0, v20;
	v30 =	vmul.f32 v34, v28  }
0x174: {  	[tilespmem:s30+$0xC120] =	vst v35;
	v28 =	vmul.f32 $1.600000000e+01, v11;
	v18 =	vmul.f32 v36, v32  }
.LBB2_11:
0x175: {  	s2 =	sadd.s32 $0x80, s2;
	v29 =	vperm.xlane v0, v29;
	s16 =	sadd.s32 $0x20, s16;
	s0 =	sadd.s32 $0x400, s0;
	v20 =	vperm.xlane v1, v20  }
0x176: {  	v27 =	vcvt.f32.s32 v27;
	v32 =	vperm.xlane v1, v21;
	s6 =	sand.u32 $0x3000, s2;
	s7 =	sand.u32 $0xC00, s0;
	p0 =	slt.u32 s2, $0x3F80  }
0x177: {  	v21 =	vtrunc.f32 v31;
	v26 =	vmul.f32 v26, v10;
	v10 =	vmov v17;
	s6 =	sor.u32 s6, s7;
	s7 =	sand.u32 $0x380, s16  }
0x178: {  	v17 =	vtrunc.f32 v19;
	v19 =	vadd.f32 v30, v29;
	v20 =	vmul.f32 v20, v4;
	v4 =	vmovc v8;
	s6 =	sor.u32 s7, s6  }
0x179: {  	v25 =	vperm.xlane v0, v25;
	v27 =	vand.u32 $0xF, v27;
	v8 =	vcvt.f32.s32 v21;
	v33 =	vld [tilespmem:s6+$0x4170]  }
0x17a: {  	v16 =	vmul.f32 v16, v5;
	v5 =	vmovc v9;
	v21 =	vtrunc.f32 v28;
	v30 =	vld [tilespmem:s6+$0x4160];
	[tilespmem:s31+$0xC160] =	vst v19;
	v19 =	vadd.f32 v20, v24  }
0x17b: {  	v17 =	vcvt.f32.s32 v17;
	v29 =	vmul.f32 v13, v3;
	v3 =	vmovc v11;
	v28 =	vand.u32 $0xF, v8;
	v24 =	vld [tilespmem:s6+$0x4150]  }
0x17c: {  	v31 =	vmul.f32 $1.600000000e+01, v10;
	v22 =	vadd.f32 v16, v22;
	v11 =	vcvt.f32.s32 v21;
	v9 =	vld [tilespmem:s6+$0x4130];
	[tilespmem:s30+$0xC140] =	vst v19  }
0x17d: {  	v34 =	vperm.xlane v0, v27;
	v20 =	vand.u32 $0xF, v17;
	v19 =	vcvt.f32.s32 v23;
	v8 =	vld [tilespmem:s6+$0x4140]  }
0x17e: {  	v27 =	vperm.xlane v1, v27;
	v36 =	vand.u32 $0xF, v11;
	v23 =	vld [tilespmem:s6+$0x4120];
	v35 =	vmul.f32 $1.600000000e+01, v33  }
0x17f: {  	v16 =	vperm.xlane v1, v28;
	v13 =	vperm.xlane v1, v36;
	v21 =	vand.u32 $0xF, v19;
	v17 =	vld [tilespmem:s6+$0x4100];
	[tilespmem:s30+$0xC130] =	vst v22  }
0x180: {  	v15 =	vadd.f32 v26, v15;
	v26 =	vmul.f32 v32, v2;
	v2 =	vmovc v6;
	v11 =	vld [tilespmem:s6+$0x4110];
	v22 =	vtrunc.f32 v35;
	v6 =	vmovc v24  }
0x181: {  	v31 =	vtrunc.f32 v31;
	v12 =	vadd.f32 v29, v12;
	v24 =	vmul.f32 $1.600000000e+01, v30  }
0x182: {  	v29 =	vcvt.f32.s32 v31;
	v14 =	vadd.f32 v26, v14;
	v19 =	vmul.f32 $1.600000000e+01, v8;
	[tilespmem:s30+$0xC100] =	vst v15  }
0x183: {  	v18 =	vadd.f32 v18, v25;
	v26 =	vmul.f32 v27, v7;
	v31 =	vmul.f32 $1.600000000e+01, v23;
	[tilespmem:s30+$0xC110] =	vst v12;
	v7 =	vmovc v23  }
0x184: {  	v15 =	vtrunc.f32 v24;
	v23 =	vand.u32 $0xF, v29;
	v12 =	vperm.xlane v0, v36;
	[tilespmem:s30+$0xC150] =	vst v14;
	s30 =	smov.u32 s31;
	s31 =	smov.u32 s6  }
0x185: {  	v24 =	vadd.f32 v26, v34;
	v14 =	vcvt.f32.s32 v15;
	v15 =	vperm.xlane v0, v23;
	[tilespmem:s30+$0xC170] =	vst v18  }
0x186: {  	v26 =	vperm.xlane v1, v23;
	v18 =	vcvt.f32.s32 v22  }
0x187: {  	v27 =	vtrunc.f32 v31;
	v29 =	vand.u32 $0xF, v14;
	v14 =	vperm.xlane v0, v21;
	[tilespmem:s30+$0xC120] =	vst v24  }
.Ltmp4:
0x188: {  	v23 =	vmul.f32 $1.600000000e+01, v6;
	v25 =	vand.u32 $0xF, v18;
	v24 =	vperm.xlane v0, v20;
	(pc) =	sbr.rel @p0 .LBB2_11-.Ltmp4, $4  }
0x189: {  	v22 =	vperm.xlane v0, v28;
	v18 =	vperm.xlane v1, v29  }
0x18a: {  	v31 =	vmul.f32 $1.600000000e+01, v9;
	v32 =	vperm.xlane v1, v25  }
0x18b: {  	v23 =	vtrunc.f32 v23;
	v30 =	vmul.f32 v18, v30  }
0x18c: {  	v28 =	vmul.f32 $1.600000000e+01, v11;
	v18 =	vmul.f32 v32, v33  }
0x18d: {  	v29 =	vperm.xlane v0, v29  }
0x18e: {  	v20 =	vperm.xlane v1, v20;
	v27 =	vcvt.f32.s32 v27  }
0x18f: {  	v21 =	vperm.xlane v1, v21;
	v31 =	vtrunc.f32 v31  }
0x190: {  	v10 =	vmul.f32 v26, v10;
	v19 =	vtrunc.f32 v19  }
0x191: {  	v25 =	vperm.xlane v0, v25;
	v5 =	vmul.f32 v16, v5  }
0x192: {  	v3 =	vmul.f32 v13, v3;
	v48 =	vmul.f32 $1.600000000e+01, v17  }
0x193: {  	v23 =	vcvt.f32.s32 v23;
	v44 =	vcvt.f32.s32 v31  }
0x194: {  	v28 =	vtrunc.f32 v28;
	v45 =	vcvt.f32.s32 v19;
	v43 =	vadd.f32 v30, v29  }
0x195: {  	v4 =	vmul.f32 v20, v4;
	v27 =	vand.u32 $0xF, v27;
	v47 =	vcvt.f32.s32 v28  }
0x196: {  	v5 =	vadd.f32 v5, v22;
	v20 =	vtrunc.f32 v48;
	v23 =	vand.u32 $0xF, v23  }
0x197: {  	v53 =	vadd.f32 v10, v15;
	v2 =	vmul.f32 v21, v2;
	v3 =	vadd.f32 v3, v12  }
0x198: {  	v58 =	vadd.f32 v18, v25;
	v46 =	vand.u32 $0xF, v44;
	v49 =	vperm.xlane v0, v27  }
0x199: {  	v50 =	vperm.xlane v1, v27;
	v16 =	vand.u32 $0xF, v45;
	v20 =	vcvt.f32.s32 v20;
	[tilespmem:s31+$0xC160] =	vst v43  }
0x19a: {  	v60 =	vperm.xlane v1, v23;
	v4 =	vadd.f32 v4, v24;
	v52 =	vperm.xlane v1, v46;
	[tilespmem:s30+$0xC130] =	vst v5  }
0x19b: {  	v56 =	vperm.xlane v1, v16;
	v2 =	vadd.f32 v2, v14;
	[tilespmem:s30+$0xC110] =	vst v3;
	v3 =	vperm.xlane v0, v16  }
0x19c: {  	[tilespmem:s30+$0xC100] =	vst v53;
	v59 =	vperm.xlane v0, v46;
	v54 =	vmul.f32 v50, v7;
	v55 =	vand.u32 $0xF, v20  }
0x19d: {  	v13 =	vand.u32 $0xF, v47;
	[tilespmem:s31+$0xC170] =	vst v58;
	v7 =	vperm.xlane v1, v55;
	v8 =	vmul.f32 v56, v8  }
0x19e: {  	v51 =	vperm.xlane v1, v13;
	[tilespmem:s30+$0xC150] =	vst v2;
	v9 =	vmul.f32 v52, v9;
	v2 =	vadd.f32 v54, v49  }
0x19f: {  	[tilespmem:s30+$0xC140] =	vst v4;
	v57 =	vperm.xlane v0, v55;
	v7 =	vmul.f32 v7, v17;
	v3 =	vadd.f32 v8, v3  }
0x1a0: {  	s28 =	sadd.s32 $0x1, s28;
	v61 =	vperm.xlane v0, v13;
	v5 =	vadd.f32 v9, v59;
	[tilespmem:s31+$0xC120] =	vst v2;
	v2 =	vmul.f32 v51, v11  }
0x1a1: {  	p0 =	sne.s32 s28, $0x8;
	v62 =	vperm.xlane v0, v23;
	v63 =	vmul.f32 v60, v6;
	[tilespmem:s31+$0xC140] =	vst v3;
	v3 =	vadd.f32 v7, v57  }
.Ltmp5:
0x1a2: {  	[tilespmem:s31+$0xC130] =	vst v5;
	v2 =	vadd.f32 v2, v61;
	(pc) =	sbr.rel @p0 .LBB2_8-.Ltmp5, $4  }
0x1a3: {  	s0 =	sadd.s32 $0x4000, s29;
	[tilespmem:s31+$0xC100] =	vst v3;
	v3 =	vadd.f32 v63, v62  }
0x1a4: {  	s0 =	sshrl.u32 s0, $0x3;
	[tilespmem:s31+$0xC110] =	vst v2  }
0x1a5: {  	s0 =	sadd.s32 s3, s0;
	[tilespmem:s31+$0xC150] =	vst v3  }
0x1a6: {  	[hbm4b:s0+s4] =	stream.linear.scatter [tilespmem:s22], [sflag:$0x4], $0x4000, $0x38;
	[tilespmem:$0x10100] =	vst v63  }
0x1a7: {  	v0 =	vld [tilespmem:$0x20]  }
0x1a8: {  	v1 =	vld [tilespmem:$0xA0];
	_ =	sdelay $0x3  }
0x1a9: {  	s26 =	simm.s32 $0x0;
	s28 =	simm.s32 $0x0  }
.LBB2_14:
0x1aa: {  	s30 =	sshll.u32 s28, $0xF  }
0x1ab: {  	s0 =	sadd.s32 s12, s30  }
0x1ac: {  	s0 =	sshrl.u32 s0, $0x3  }
0x1ad: {  	s0 =	sadd.s32 s1, s0  }
0x1ae: {  	[tilespmem:s18], [sflag:$0x2] =	stream.linear.gather [hbm4b:s0+s26], $0x4000, $0x38;
	[tilespmem:$0x10100] =	vst v63  }
0x1af: {  	_ =	swait.ge [sflag:s19], $0x4000  }
0x1b0: {  	[sflag:s19] =	ssyncset.done $0x0  }
0x1b1: {  	s7 =	simm.s32 $0x0;
	[sflag:s19] =	ssyncadd.s32 $0xFFFFC000  }
0x1b2: {  	s2 =	sand.u32 $0xC00, s26;
	s0 =	sand.u32 $0x3000, s7;
	_ =	swait.ge [sflag:s23], $0x4000  }
0x1b3: {  	s16 =	sand.u32 $0x380, s26;
	s0 =	sor.u32 s0, s2;
	[sflag:s23] =	ssyncset.done $0x0  }
0x1b4: {  	s29 =	sor.u32 s16, s0;
	[sflag:s23] =	ssyncadd.s32 $0xFFFFC000  }
0x1b5: {  	v6 =	vld [tilespmem:s29+$0x170]  }
0x1b6: {  	v7 =	vld [tilespmem:s29+$0x160]  }
0x1b7: {  	s2 =	simm.s32 $0x80;
	s0 =	simm.s32 $0x400;
	v9 =	vld [tilespmem:s29+$0x120]  }
0x1b8: {  	s16 =	simm.s32 $0x20;
	s6 =	sand.u32 $0x3000, s2;
	s7 =	sand.u32 $0xC00, s0;
	v4 =	vld [tilespmem:s29+$0x140]  }
0x1b9: {  	s6 =	sor.u32 s6, s7;
	s7 =	sand.u32 $0x380, s16;
	v2 =	vld [tilespmem:s29+$0x150]  }
0x1ba: {  	s31 =	sor.u32 s7, s6;
	v5 =	vld [tilespmem:s29+$0x130]  }
0x1bb: {  	v32 =	vld [tilespmem:s31+$0x170];
	_ =	sdelay $0x1  }
0x1bc: {  	v3 =	vmul.f32 $1.600000000e+01, v6  }
0x1bd: {  	v8 =	vmul.f32 $1.600000000e+01, v7;
	v11 =	vmul.f32 $1.600000000e+01, v9  }
0x1be: {  	v12 =	vmul.f32 $1.600000000e+01, v4;
	v13 =	vmul.f32 $1.600000000e+01, v2  }
0x1bf: {  	v15 =	vmul.f32 $1.600000000e+01, v5;
	v22 =	vmul.f32 $1.600000000e+01, v32  }
0x1c0: {  	v10 =	vtrunc.f32 v3;
	v8 =	vtrunc.f32 v8  }
0x1c1: {  	v11 =	vtrunc.f32 v11;
	v8 =	vcvt.f32.s32 v8  }
0x1c2: {  	v3 =	vld [tilespmem:s29+$0x110];
	v13 =	vtrunc.f32 v13;
	v10 =	vcvt.f32.s32 v10  }
0x1c3: {  	v12 =	vtrunc.f32 v12;
	v22 =	vtrunc.f32 v22;
	v8 =	vand.u32 $0xF, v8  }
0x1c4: {  	v20 =	vcvt.f32.s32 v12;
	v14 =	vand.u32 $0xF, v10;
	v10 =	vperm.xlane v1, v8  }
0x1c5: {  	v21 =	vcvt.f32.s32 v13;
	v16 =	vperm.xlane v1, v14  }
0x1c6: {  	v22 =	vcvt.f32.s32 v22;
	v17 =	vmul.f32 v10, v7  }
0x1c7: {  	v7 =	vmul.f32 $1.600000000e+01, v3;
	v18 =	vmul.f32 v16, v6  }
0x1c8: {  	v28 =	vld [tilespmem:s31+$0x160];
	v6 =	vperm.xlane v0, v8;
	v8 =	vcvt.f32.s32 v11  }
0x1c9: {  	v21 =	vand.u32 $0xF, v21;
	v14 =	vperm.xlane v0, v14;
	v10 =	vld [tilespmem:s29+$0x100];
	v11 =	vtrunc.f32 v15  }
0x1ca: {  	v11 =	vcvt.f32.s32 v11;
	v7 =	vtrunc.f32 v7;
	v15 =	vand.u32 $0xF, v8  }
0x1cb: {  	v18 =	vadd.f32 v18, v14;
	v14 =	vperm.xlane v0, v21;
	v12 =	vcvt.f32.s32 v7  }
0x1cc: {  	v8 =	vld [tilespmem:s31+$0x140];
	v23 =	vperm.xlane v0, v15;
	v30 =	vand.u32 $0xF, v11;
	v11 =	vperm.xlane v1, v15  }
0x1cd: {  	v17 =	vadd.f32 v17, v6;
	v6 =	vld [tilespmem:s31+$0x150];
	v15 =	vmul.f32 $1.600000000e+01, v28;
	v16 =	vperm.xlane v1, v30  }
0x1ce: {  	v7 =	vld [tilespmem:s31+$0x120];
	v19 =	vmul.f32 $1.600000000e+01, v10;
	v12 =	vand.u32 $0xF, v12;
	v31 =	vmul.f32 v11, v9  }
0x1cf: {  	v11 =	vtrunc.f32 v15;
	v13 =	vperm.xlane v1, v12  }
0x1d0: {  	v12 =	vperm.xlane v0, v12;
	v29 =	vcvt.f32.s32 v11  }
0x1d1: {  	v9 =	vld [tilespmem:s31+$0x130];
	v24 =	vtrunc.f32 v19;
	v19 =	vmul.f32 $1.600000000e+01, v8  }
0x1d2: {  	v33 =	vmul.f32 $1.600000000e+01, v6;
	v24 =	vcvt.f32.s32 v24  }
0x1d3: {  	v35 =	vadd.f32 v31, v23;
	v25 =	vmul.f32 $1.600000000e+01, v7;
	v29 =	vand.u32 $0xF, v29  }
0x1d4: {  	v11 =	vld [tilespmem:s31+$0x110];
	v34 =	vperm.xlane v1, v29;
	v23 =	vtrunc.f32 v33;
	v24 =	vand.u32 $0xF, v24  }
0x1d5: {  	v27 =	vtrunc.f32 v25;
	v25 =	vand.u32 $0xF, v22;
	v22 =	vperm.xlane v0, v30  }
0x1d6: {  	v31 =	vmul.f32 $1.600000000e+01, v9;
	v15 =	vperm.xlane v0, v24  }
0x1d7: {  	v20 =	vand.u32 $0xF, v20;
	[tilespmem:s29+$0x8160] =	vst v17;
	v17 =	vld [tilespmem:s31+$0x100];
	v26 =	vperm.xlane v1, v24;
	v36 =	vperm.xlane v1, v25  }
0x1d8: {  	[tilespmem:s29+$0x8170] =	vst v18;
	v24 =	vperm.xlane v0, v20;
	v30 =	vmul.f32 v34, v28  }
0x1d9: {  	[tilespmem:s29+$0x8120] =	vst v35;
	v28 =	vmul.f32 $1.600000000e+01, v11;
	v18 =	vmul.f32 v36, v32  }
.LBB2_15:
0x1da: {  	s2 =	sadd.s32 $0x80, s2;
	v29 =	vperm.xlane v0, v29;
	s16 =	sadd.s32 $0x20, s16;
	s0 =	sadd.s32 $0x400, s0;
	v20 =	vperm.xlane v1, v20  }
0x1db: {  	v27 =	vcvt.f32.s32 v27;
	v32 =	vperm.xlane v1, v21;
	s6 =	sand.u32 $0x3000, s2;
	s7 =	sand.u32 $0xC00, s0;
	p0 =	slt.u32 s2, $0x3F80  }
0x1dc: {  	v21 =	vtrunc.f32 v31;
	v26 =	vmul.f32 v26, v10;
	v10 =	vmov v17;
	s6 =	sor.u32 s6, s7;
	s7 =	sand.u32 $0x380, s16  }
0x1dd: {  	v17 =	vtrunc.f32 v19;
	v19 =	vadd.f32 v30, v29;
	v20 =	vmul.f32 v20, v4;
	v4 =	vmovc v8;
	s6 =	sor.u32 s7, s6  }
0x1de: {  	v25 =	vperm.xlane v0, v25;
	v27 =	vand.u32 $0xF, v27;
	v8 =	vcvt.f32.s32 v21;
	v33 =	vld [tilespmem:s6+$0x170]  }
0x1df: {  	v16 =	vmul.f32 v16, v5;
	v5 =	vmovc v9;
	v21 =	vtrunc.f32 v28;
	v30 =	vld [tilespmem:s6+$0x160];
	[tilespmem:s31+$0x8160] =	vst v19;
	v19 =	vadd.f32 v20, v24  }
0x1e0: {  	v17 =	vcvt.f32.s32 v17;
	v29 =	vmul.f32 v13, v3;
	v3 =	vmovc v11;
	v28 =	vand.u32 $0xF, v8;
	v24 =	vld [tilespmem:s6+$0x150]  }
0x1e1: {  	v31 =	vmul.f32 $1.600000000e+01, v10;
	v22 =	vadd.f32 v16, v22;
	v11 =	vcvt.f32.s32 v21;
	v9 =	vld [tilespmem:s6+$0x130];
	[tilespmem:s29+$0x8140] =	vst v19  }
0x1e2: {  	v34 =	vperm.xlane v0, v27;
	v20 =	vand.u32 $0xF, v17;
	v19 =	vcvt.f32.s32 v23;
	v8 =	vld [tilespmem:s6+$0x140]  }
0x1e3: {  	v27 =	vperm.xlane v1, v27;
	v36 =	vand.u32 $0xF, v11;
	v23 =	vld [tilespmem:s6+$0x120];
	v35 =	vmul.f32 $1.600000000e+01, v33  }
0x1e4: {  	v16 =	vperm.xlane v1, v28;
	v13 =	vperm.xlane v1, v36;
	v21 =	vand.u32 $0xF, v19;
	v17 =	vld [tilespmem:s6+$0x100];
	[tilespmem:s29+$0x8130] =	vst v22  }
0x1e5: {  	v15 =	vadd.f32 v26, v15;
	v26 =	vmul.f32 v32, v2;
	v2 =	vmovc v6;
	v11 =	vld [tilespmem:s6+$0x110];
	v22 =	vtrunc.f32 v35;
	v6 =	vmovc v24  }
0x1e6: {  	v31 =	vtrunc.f32 v31;
	v12 =	vadd.f32 v29, v12;
	v24 =	vmul.f32 $1.600000000e+01, v30  }
0x1e7: {  	v29 =	vcvt.f32.s32 v31;
	v14 =	vadd.f32 v26, v14;
	v19 =	vmul.f32 $1.600000000e+01, v8;
	[tilespmem:s29+$0x8100] =	vst v15  }
0x1e8: {  	v18 =	vadd.f32 v18, v25;
	v26 =	vmul.f32 v27, v7;
	v31 =	vmul.f32 $1.600000000e+01, v23;
	[tilespmem:s29+$0x8110] =	vst v12;
	v7 =	vmovc v23  }
0x1e9: {  	v15 =	vtrunc.f32 v24;
	v23 =	vand.u32 $0xF, v29;
	v12 =	vperm.xlane v0, v36;
	[tilespmem:s29+$0x8150] =	vst v14;
	s29 =	smov.u32 s31;
	s31 =	smov.u32 s6  }
0x1ea: {  	v24 =	vadd.f32 v26, v34;
	v14 =	vcvt.f32.s32 v15;
	v15 =	vperm.xlane v0, v23;
	[tilespmem:s29+$0x8170] =	vst v18  }
0x1eb: {  	v26 =	vperm.xlane v1, v23;
	v18 =	vcvt.f32.s32 v22  }
0x1ec: {  	v27 =	vtrunc.f32 v31;
	v29 =	vand.u32 $0xF, v14;
	v14 =	vperm.xlane v0, v21;
	[tilespmem:s29+$0x8120] =	vst v24  }
.Ltmp6:
0x1ed: {  	v23 =	vmul.f32 $1.600000000e+01, v6;
	v25 =	vand.u32 $0xF, v18;
	v24 =	vperm.xlane v0, v20;
	(pc) =	sbr.rel @p0 .LBB2_15-.Ltmp6, $4  }
0x1ee: {  	v22 =	vperm.xlane v0, v28;
	v18 =	vperm.xlane v1, v29  }
0x1ef: {  	v31 =	vmul.f32 $1.600000000e+01, v9;
	v32 =	vperm.xlane v1, v25  }
0x1f0: {  	v23 =	vtrunc.f32 v23;
	v30 =	vmul.f32 v18, v30  }
0x1f1: {  	v28 =	vmul.f32 $1.600000000e+01, v11;
	v18 =	vmul.f32 v32, v33  }
0x1f2: {  	v29 =	vperm.xlane v0, v29  }
0x1f3: {  	v20 =	vperm.xlane v1, v20;
	v27 =	vcvt.f32.s32 v27  }
0x1f4: {  	v21 =	vperm.xlane v1, v21;
	v31 =	vtrunc.f32 v31  }
0x1f5: {  	v10 =	vmul.f32 v26, v10;
	v19 =	vtrunc.f32 v19  }
0x1f6: {  	v25 =	vperm.xlane v0, v25;
	v5 =	vmul.f32 v16, v5  }
0x1f7: {  	v3 =	vmul.f32 v13, v3;
	v23 =	vcvt.f32.s32 v23  }
0x1f8: {  	v28 =	vtrunc.f32 v28;
	v16 =	vcvt.f32.s32 v19  }
0x1f9: {  	v26 =	vadd.f32 v30, v29;
	v4 =	vmul.f32 v20, v4;
	v20 =	vcvt.f32.s32 v31  }
0x1fa: {  	v27 =	vand.u32 $0xF, v27;
	v13 =	vcvt.f32.s32 v28;
	v5 =	vadd.f32 v5, v22  }
0x1fb: {  	v23 =	vand.u32 $0xF, v23;
	v2 =	vmul.f32 v21, v2;
	v3 =	vadd.f32 v3, v12  }
0x1fc: {  	v22 =	vperm.xlane v0, v27;
	v19 =	vand.u32 $0xF, v20;
	v20 =	vmul.f32 $1.600000000e+01, v17  }
0x1fd: {  	v16 =	vand.u32 $0xF, v16;
	v4 =	vadd.f32 v4, v24;
	v24 =	vperm.xlane v1, v27  }
0x1fe: {  	v13 =	vand.u32 $0xF, v13;
	[tilespmem:s29+$0x8110] =	vst v3;
	v3 =	vperm.xlane v0, v16;
	v20 =	vtrunc.f32 v20  }
0x1ff: {  	[tilespmem:s29+$0x8140] =	vst v4;
	v4 =	vadd.f32 v10, v15;
	v10 =	vperm.xlane v1, v16;
	v20 =	vcvt.f32.s32 v20  }
0x200: {  	[tilespmem:s31+$0x8160] =	vst v26;
	v2 =	vadd.f32 v2, v14;
	v27 =	vperm.xlane v1, v13;
	v26 =	vperm.xlane v1, v19  }
0x201: {  	[tilespmem:s29+$0x8130] =	vst v5;
	v5 =	vmul.f32 v24, v7;
	v8 =	vmul.f32 v10, v8;
	v7 =	vand.u32 $0xF, v20  }
0x202: {  	v12 =	vadd.f32 v18, v25;
	[tilespmem:s29+$0x8100] =	vst v4;
	v4 =	vperm.xlane v0, v7;
	v7 =	vperm.xlane v1, v7  }
0x203: {  	[tilespmem:s29+$0x8150] =	vst v2;
	v9 =	vmul.f32 v26, v9;
	v2 =	vadd.f32 v5, v22;
	v5 =	vperm.xlane v0, v19  }
0x204: {  	[tilespmem:s31+$0x8170] =	vst v12;
	v10 =	vperm.xlane v1, v23;
	v3 =	vadd.f32 v8, v3;
	v7 =	vmul.f32 v7, v17  }
0x205: {  	v8 =	vperm.xlane v0, v13;
	[tilespmem:s31+$0x8120] =	vst v2;
	v2 =	vmul.f32 v27, v11;
	v5 =	vadd.f32 v9, v5  }
0x206: {  	v9 =	vperm.xlane v0, v23;
	[tilespmem:s31+$0x8140] =	vst v3;
	v3 =	vadd.f32 v7, v4;
	v4 =	vmul.f32 v10, v6  }
0x207: {  	[tilespmem:s31+$0x8130] =	vst v5;
	v2 =	vadd.f32 v2, v8  }
0x208: {  	s29 =	sadd.s32 s30, s13;
	[tilespmem:s31+$0x8100] =	vst v3;
	v3 =	vadd.f32 v4, v9  }
0x209: {  	s0 =	sshrl.u32 s29, $0x3;
	[tilespmem:s31+$0x8110] =	vst v2  }
0x20a: {  	p0 =	seq.s32 s28, $0x7;
	s0 =	sadd.s32 s3, s0;
	[tilespmem:s31+$0x8150] =	vst v3  }
0x20b: {  	[hbm4b:s0+s4] =	stream.linear.scatter [tilespmem:s20], [sflag:$0x3], $0x4000, $0x38;
	[tilespmem:$0x10100] =	vst v63  }
0x20c: {  	s0 =	sadd.s32 @!p0 $0x88000, s30  }
0x20d: {  	s2 =	sand.u32 @!p0 $0xC0000, s0  }
0x20e: {  	s0 =	sand.u32 @!p0 $0x38000, s0;
	s2 =	sadd.s32 @!p0 s5, s2  }
0x20f: {  	s0 =	sor.u32 @!p0 s0, s2  }
0x210: {  	s0 =	sshrl.u32 @!p0 s0, $0x3  }
0x211: {  	s6 =	simm.s32 @!p0 $0x100;
	s2 =	simm.s32 @!p0 $0x0;
	s0 =	sadd.s32 @!p0 s1, s0  }
0x212: {  	[tilespmem:s6], [sflag:$0x1] =	stream.linear.gather @!p0 [hbm4b:s0+s2], $0x4000, $0x38;
	[tilespmem:$0x10100] =	vst v63  }
0x213: {  	_ =	swait.ge [sflag:s21], $0x4000  }
0x214: {  	[sflag:s21] =	ssyncset.done $0x0  }
0x215: {  	s7 =	simm.s32 $0x0;
	s0 =	simm.s32 $0x0;
	[sflag:s21] =	ssyncadd.s32 $0xFFFFC000  }
0x216: {  	s2 =	sand.u32 $0x3000, s7;
	s16 =	sand.u32 $0xC00, s0;
	_ =	swait.ge [sflag:s24], $0x4000  }
0x217: {  	s0 =	sand.u32 $0x380, s0;
	s2 =	sor.u32 s2, s16;
	[sflag:s24] =	ssyncset.done $0x0  }
0x218: {  	s30 =	sor.u32 s0, s2;
	[sflag:s24] =	ssyncadd.s32 $0xFFFFC000  }
0x219: {  	v6 =	vld [tilespmem:s30+$0x4170]  }
0x21a: {  	v7 =	vld [tilespmem:s30+$0x4160]  }
0x21b: {  	s2 =	simm.s32 $0x80;
	s0 =	simm.s32 $0x400;
	v9 =	vld [tilespmem:s30+$0x4120]  }
0x21c: {  	s16 =	simm.s32 $0x20;
	s6 =	sand.u32 $0x3000, s2;
	s7 =	sand.u32 $0xC00, s0;
	v4 =	vld [tilespmem:s30+$0x4140]  }
0x21d: {  	s6 =	sor.u32 s6, s7;
	s7 =	sand.u32 $0x380, s16;
	v2 =	vld [tilespmem:s30+$0x4150]  }
0x21e: {  	s31 =	sor.u32 s7, s6;
	v5 =	vld [tilespmem:s30+$0x4130]  }
0x21f: {  	v32 =	vld [tilespmem:s31+$0x4170];
	_ =	sdelay $0x1  }
0x220: {  	v3 =	vmul.f32 $1.600000000e+01, v6  }
0x221: {  	v8 =	vmul.f32 $1.600000000e+01, v7;
	v11 =	vmul.f32 $1.600000000e+01, v9  }
0x222: {  	v12 =	vmul.f32 $1.600000000e+01, v4;
	v13 =	vmul.f32 $1.600000000e+01, v2  }
0x223: {  	v15 =	vmul.f32 $1.600000000e+01, v5;
	v22 =	vmul.f32 $1.600000000e+01, v32  }
0x224: {  	v10 =	vtrunc.f32 v3;
	v8 =	vtrunc.f32 v8  }
0x225: {  	v11 =	vtrunc.f32 v11;
	v8 =	vcvt.f32.s32 v8  }
0x226: {  	v3 =	vld [tilespmem:s30+$0x4110];
	v13 =	vtrunc.f32 v13;
	v10 =	vcvt.f32.s32 v10  }
0x227: {  	v12 =	vtrunc.f32 v12;
	v22 =	vtrunc.f32 v22;
	v8 =	vand.u32 $0xF, v8  }
0x228: {  	v20 =	vcvt.f32.s32 v12;
	v14 =	vand.u32 $0xF, v10;
	v10 =	vperm.xlane v1, v8  }
0x229: {  	v21 =	vcvt.f32.s32 v13;
	v16 =	vperm.xlane v1, v14  }
0x22a: {  	v22 =	vcvt.f32.s32 v22;
	v17 =	vmul.f32 v10, v7  }
0x22b: {  	v7 =	vmul.f32 $1.600000000e+01, v3;
	v18 =	vmul.f32 v16, v6  }
0x22c: {  	v28 =	vld [tilespmem:s31+$0x4160];
	v6 =	vperm.xlane v0, v8;
	v8 =	vcvt.f32.s32 v11  }
0x22d: {  	v21 =	vand.u32 $0xF, v21;
	v14 =	vperm.xlane v0, v14;
	v10 =	vld [tilespmem:s30+$0x4100];
	v11 =	vtrunc.f32 v15  }
0x22e: {  	v11 =	vcvt.f32.s32 v11;
	v7 =	vtrunc.f32 v7;
	v15 =	vand.u32 $0xF, v8  }
0x22f: {  	v18 =	vadd.f32 v18, v14;
	v14 =	vperm.xlane v0, v21;
	v12 =	vcvt.f32.s32 v7  }
0x230: {  	v8 =	vld [tilespmem:s31+$0x4140];
	v23 =	vperm.xlane v0, v15;
	v30 =	vand.u32 $0xF, v11;
	v11 =	vperm.xlane v1, v15  }
0x231: {  	v17 =	vadd.f32 v17, v6;
	v6 =	vld [tilespmem:s31+$0x4150];
	v15 =	vmul.f32 $1.600000000e+01, v28;
	v16 =	vperm.xlane v1, v30  }
0x232: {  	v7 =	vld [tilespmem:s31+$0x4120];
	v19 =	vmul.f32 $1.600000000e+01, v10;
	v12 =	vand.u32 $0xF, v12;
	v31 =	vmul.f32 v11, v9  }
0x233: {  	v11 =	vtrunc.f32 v15;
	v13 =	vperm.xlane v1, v12  }
0x234: {  	v12 =	vperm.xlane v0, v12;
	v29 =	vcvt.f32.s32 v11  }
0x235: {  	v9 =	vld [tilespmem:s31+$0x4130];
	v24 =	vtrunc.f32 v19;
	v19 =	vmul.f32 $1.600000000e+01, v8  }
0x236: {  	v33 =	vmul.f32 $1.600000000e+01, v6;
	v24 =	vcvt.f32.s32 v24  }
0x237: {  	v35 =	vadd.f32 v31, v23;
	v25 =	vmul.f32 $1.600000000e+01, v7;
	v29 =	vand.u32 $0xF, v29  }
0x238: {  	v11 =	vld [tilespmem:s31+$0x4110];
	v34 =	vperm.xlane v1, v29;
	v23 =	vtrunc.f32 v33;
	v24 =	vand.u32 $0xF, v24  }
0x239: {  	v27 =	vtrunc.f32 v25;
	v25 =	vand.u32 $0xF, v22;
	v22 =	vperm.xlane v0, v30  }
0x23a: {  	v31 =	vmul.f32 $1.600000000e+01, v9;
	v15 =	vperm.xlane v0, v24  }
0x23b: {  	v20 =	vand.u32 $0xF, v20;
	[tilespmem:s30+$0xC160] =	vst v17;
	v17 =	vld [tilespmem:s31+$0x4100];
	v26 =	vperm.xlane v1, v24;
	v36 =	vperm.xlane v1, v25  }
0x23c: {  	[tilespmem:s30+$0xC170] =	vst v18;
	v24 =	vperm.xlane v0, v20;
	v30 =	vmul.f32 v34, v28  }
0x23d: {  	[tilespmem:s30+$0xC120] =	vst v35;
	v28 =	vmul.f32 $1.600000000e+01, v11;
	v18 =	vmul.f32 v36, v32  }
.LBB2_17:
0x23e: {  	s2 =	sadd.s32 $0x80, s2;
	v29 =	vperm.xlane v0, v29;
	s16 =	sadd.s32 $0x20, s16;
	s0 =	sadd.s32 $0x400, s0;
	v20 =	vperm.xlane v1, v20  }
0x23f: {  	v27 =	vcvt.f32.s32 v27;
	v32 =	vperm.xlane v1, v21;
	s6 =	sand.u32 $0x3000, s2;
	s7 =	sand.u32 $0xC00, s0;
	p0 =	slt.u32 s2, $0x3F80  }
0x240: {  	v21 =	vtrunc.f32 v31;
	v26 =	vmul.f32 v26, v10;
	v10 =	vmov v17;
	s6 =	sor.u32 s6, s7;
	s7 =	sand.u32 $0x380, s16  }
0x241: {  	v17 =	vtrunc.f32 v19;
	v19 =	vadd.f32 v30, v29;
	v20 =	vmul.f32 v20, v4;
	v4 =	vmovc v8;
	s6 =	sor.u32 s7, s6  }
0x242: {  	v25 =	vperm.xlane v0, v25;
	v27 =	vand.u32 $0xF, v27;
	v8 =	vcvt.f32.s32 v21;
	v33 =	vld [tilespmem:s6+$0x4170]  }
0x243: {  	v16 =	vmul.f32 v16, v5;
	v5 =	vmovc v9;
	v21 =	vtrunc.f32 v28;
	v30 =	vld [tilespmem:s6+$0x4160];
	[tilespmem:s31+$0xC160] =	vst v19;
	v19 =	vadd.f32 v20, v24  }
0x244: {  	v17 =	vcvt.f32.s32 v17;
	v29 =	vmul.f32 v13, v3;
	v3 =	vmovc v11;
	v28 =	vand.u32 $0xF, v8;
	v24 =	vld [tilespmem:s6+$0x4150]  }
0x245: {  	v31 =	vmul.f32 $1.600000000e+01, v10;
	v22 =	vadd.f32 v16, v22;
	v11 =	vcvt.f32.s32 v21;
	v9 =	vld [tilespmem:s6+$0x4130];
	[tilespmem:s30+$0xC140] =	vst v19  }
0x246: {  	v34 =	vperm.xlane v0, v27;
	v20 =	vand.u32 $0xF, v17;
	v19 =	vcvt.f32.s32 v23;
	v8 =	vld [tilespmem:s6+$0x4140]  }
0x247: {  	v27 =	vperm.xlane v1, v27;
	v36 =	vand.u32 $0xF, v11;
	v23 =	vld [tilespmem:s6+$0x4120];
	v35 =	vmul.f32 $1.600000000e+01, v33  }
0x248: {  	v16 =	vperm.xlane v1, v28;
	v13 =	vperm.xlane v1, v36;
	v21 =	vand.u32 $0xF, v19;
	v17 =	vld [tilespmem:s6+$0x4100];
	[tilespmem:s30+$0xC130] =	vst v22  }
0x249: {  	v15 =	vadd.f32 v26, v15;
	v26 =	vmul.f32 v32, v2;
	v2 =	vmovc v6;
	v11 =	vld [tilespmem:s6+$0x4110];
	v22 =	vtrunc.f32 v35;
	v6 =	vmovc v24  }
0x24a: {  	v31 =	vtrunc.f32 v31;
	v12 =	vadd.f32 v29, v12;
	v24 =	vmul.f32 $1.600000000e+01, v30  }
0x24b: {  	v29 =	vcvt.f32.s32 v31;
	v14 =	vadd.f32 v26, v14;
	v19 =	vmul.f32 $1.600000000e+01, v8;
	[tilespmem:s30+$0xC100] =	vst v15  }
0x24c: {  	v18 =	vadd.f32 v18, v25;
	v26 =	vmul.f32 v27, v7;
	v31 =	vmul.f32 $1.600000000e+01, v23;
	[tilespmem:s30+$0xC110] =	vst v12;
	v7 =	vmovc v23  }
0x24d: {  	v15 =	vtrunc.f32 v24;
	v23 =	vand.u32 $0xF, v29;
	v12 =	vperm.xlane v0, v36;
	[tilespmem:s30+$0xC150] =	vst v14;
	s30 =	smov.u32 s31;
	s31 =	smov.u32 s6  }
0x24e: {  	v24 =	vadd.f32 v26, v34;
	v14 =	vcvt.f32.s32 v15;
	v15 =	vperm.xlane v0, v23;
	[tilespmem:s30+$0xC170] =	vst v18  }
0x24f: {  	v26 =	vperm.xlane v1, v23;
	v18 =	vcvt.f32.s32 v22  }
0x250: {  	v27 =	vtrunc.f32 v31;
	v29 =	vand.u32 $0xF, v14;
	v14 =	vperm.xlane v0, v21;
	[tilespmem:s30+$0xC120] =	vst v24  }
.Ltmp7:
0x251: {  	v23 =	vmul.f32 $1.600000000e+01, v6;
	v25 =	vand.u32 $0xF, v18;
	v24 =	vperm.xlane v0, v20;
	(pc) =	sbr.rel @p0 .LBB2_17-.Ltmp7, $4  }
0x252: {  	v22 =	vperm.xlane v0, v28;
	v18 =	vperm.xlane v1, v29  }
0x253: {  	v31 =	vmul.f32 $1.600000000e+01, v9;
	v32 =	vperm.xlane v1, v25  }
0x254: {  	v23 =	vtrunc.f32 v23;
	v30 =	vmul.f32 v18, v30  }
0x255: {  	v28 =	vmul.f32 $1.600000000e+01, v11;
	v18 =	vmul.f32 v32, v33  }
0x256: {  	v29 =	vperm.xlane v0, v29  }
0x257: {  	v20 =	vperm.xlane v1, v20;
	v27 =	vcvt.f32.s32 v27  }
0x258: {  	v21 =	vperm.xlane v1, v21;
	v31 =	vtrunc.f32 v31  }
0x259: {  	v10 =	vmul.f32 v26, v10;
	v19 =	vtrunc.f32 v19  }
0x25a: {  	v25 =	vperm.xlane v0, v25;
	v5 =	vmul.f32 v16, v5  }
0x25b: {  	v3 =	vmul.f32 v13, v3;
	v48 =	vmul.f32 $1.600000000e+01, v17  }
0x25c: {  	v23 =	vcvt.f32.s32 v23;
	v44 =	vcvt.f32.s32 v31  }
0x25d: {  	v28 =	vtrunc.f32 v28;
	v45 =	vcvt.f32.s32 v19;
	v43 =	vadd.f32 v30, v29  }
0x25e: {  	v4 =	vmul.f32 v20, v4;
	v27 =	vand.u32 $0xF, v27;
	v47 =	vcvt.f32.s32 v28  }
0x25f: {  	v5 =	vadd.f32 v5, v22;
	v20 =	vtrunc.f32 v48;
	v23 =	vand.u32 $0xF, v23  }
0x260: {  	v53 =	vadd.f32 v10, v15;
	v2 =	vmul.f32 v21, v2;
	v3 =	vadd.f32 v3, v12  }
0x261: {  	v58 =	vadd.f32 v18, v25;
	v46 =	vand.u32 $0xF, v44;
	v49 =	vperm.xlane v0, v27  }
0x262: {  	v50 =	vperm.xlane v1, v27;
	v16 =	vand.u32 $0xF, v45;
	v20 =	vcvt.f32.s32 v20;
	[tilespmem:s31+$0xC160] =	vst v43  }
0x263: {  	v60 =	vperm.xlane v1, v23;
	v4 =	vadd.f32 v4, v24;
	v52 =	vperm.xlane v1, v46;
	[tilespmem:s30+$0xC130] =	vst v5  }
0x264: {  	v56 =	vperm.xlane v1, v16;
	v2 =	vadd.f32 v2, v14;
	[tilespmem:s30+$0xC110] =	vst v3;
	v3 =	vperm.xlane v0, v16  }
0x265: {  	[tilespmem:s30+$0xC100] =	vst v53;
	v59 =	vperm.xlane v0, v46;
	v54 =	vmul.f32 v50, v7;
	v55 =	vand.u32 $0xF, v20  }
0x266: {  	v13 =	vand.u32 $0xF, v47;
	[tilespmem:s31+$0xC170] =	vst v58;
	v7 =	vperm.xlane v1, v55;
	v8 =	vmul.f32 v56, v8  }
0x267: {  	v51 =	vperm.xlane v1, v13;
	[tilespmem:s30+$0xC150] =	vst v2;
	v9 =	vmul.f32 v52, v9;
	v2 =	vadd.f32 v54, v49  }
0x268: {  	[tilespmem:s30+$0xC140] =	vst v4;
	v57 =	vperm.xlane v0, v55;
	v7 =	vmul.f32 v7, v17;
	v3 =	vadd.f32 v8, v3  }
0x269: {  	s28 =	sadd.s32 $0x1, s28;
	v61 =	vperm.xlane v0, v13;
	v5 =	vadd.f32 v9, v59;
	[tilespmem:s31+$0xC120] =	vst v2;
	v2 =	vmul.f32 v51, v11  }
0x26a: {  	p0 =	sne.s32 s28, $0x8;
	v62 =	vperm.xlane v0, v23;
	v63 =	vmul.f32 v60, v6;
	[tilespmem:s31+$0xC140] =	vst v3;
	v3 =	vadd.f32 v7, v57  }
.Ltmp8:
0x26b: {  	[tilespmem:s31+$0xC130] =	vst v5;
	v2 =	vadd.f32 v2, v61;
	(pc) =	sbr.rel @p0 .LBB2_14-.Ltmp8, $4  }
0x26c: {  	s0 =	sadd.s32 $0x4000, s29;
	[tilespmem:s31+$0xC100] =	vst v3;
	v3 =	vadd.f32 v63, v62  }
0x26d: {  	s0 =	sshrl.u32 s0, $0x3;
	[tilespmem:s31+$0xC110] =	vst v2  }
0x26e: {  	s0 =	sadd.s32 s3, s0;
	[tilespmem:s31+$0xC150] =	vst v3  }
0x26f: {  	[hbm4b:s0+s4] =	stream.linear.scatter [tilespmem:s22], [sflag:$0x4], $0x4000, $0x38;
	[tilespmem:$0x10100] =	vst v63  }
0x270: {  	s25 =	sadd.s32 $0x1, s25  }
0x271: {  	_ =	swait.ge [sflag:s23], $0x4000;
	p0 =	sne.s32 s25, s14  }
.Ltmp9:
0x272: {  	[sflag:s23] =	ssyncset.done $0x0;
	(pc) =	sbr.rel @p0 .LBB2_1-.Ltmp9, $4  }
0x273: {  	[sflag:s23] =	ssyncadd.s32 $0xFFFFC000  }
0x274: {  	_ =	swait.ge [sflag:s24], $0x4000  }
0x275: {  	[sflag:s24] =	ssyncset.done $0x0  }
0x276: {  	[sflag:s24] =	ssyncadd.s32 $0xFFFFC000  }
0x277: {  	_ =	sfence.sel $0x180000  }
0x278: {  	[bflag:$0x0] =	sbarrier.arrive $0xFFFF  }
0x279: {  	_ =	strace $0x90000047  }
0x27a: {  	s0 =	stileid.u32;
	[bflag:$0x2] =	sbarrier.arrive $0xFFFF  }
0x27b: {  	p0 =	sne.s32 s0, $0x0;
	s0 =	rddreg [dreg:$0x3]  }
0x27c: {  	s0 =	sadd.s32 @!p0 $0x100000, s0  }
0x27d: {  	[sflag:s0] =	ssyncadd.tile.s32 @!p0 $0x1;
	_ =	shalt  }
.Lfunc_end2:
_tile_overlayer_lowered:
.L_overlay_start_2:
0x27e: {  	(tag) =	ssettag $0x2  }
0x27f: {  	s0 =	rddreg [dreg:$0x0];
	s2 =	stileid.u32  }
0x280: {  	s1 =	rddreg [dreg:$0x1];
	p0 =	sne.s32 s2, $0x0  }
0x281: {  	s3 =	rddreg [dreg:$0x2];
	[bflag:$0x3] =	sbarrier.arrive $0xFFFF;
	s2 =	simm.s32 @!p0 $0x1C05  }
0x282: {  	[timem:s3], [sflag:s2] =	dma.local @!p0 [hbm:s0], s1  }
0x283: {  	s0 =	simm.s32 @!p0 $0x5  }
0x284: {  	_ =	swait.ge @!p0 [sflag:s0], s1  }
0x285: {  	s1 =	ssub.s32 @!p0 $0x0, s1;
	[sflag:s0] =	ssyncset.done @!p0 $0x0  }
0x286: {  	[sflag:s0] =	ssyncadd.s32 @!p0 s1  }
0x287: {  	[bflag:$0x3] =	sbarrier.arrive $0xFFFF  }
0x288: {  	_ =	shalt  }

</sc_bundles>
